<compile_context>
chip_gen: v7x
topology: tpu7x:2x2x1
jax: 0.10.2.dev20260603
libtpu: 0.0.44.dev20260713+nightly
codegen_flags: <defaults>
</compile_context>

<pallas_src>
import functools

import jax
import jax.numpy as jnp
from jax import lax
from jax.experimental import pallas as pl
from jax.experimental.pallas import tpu as pltpu
from jax.experimental.pallas import tpu_sc as plsc

IN_DIM = 3
M = 3
N = 32
C = 2
W = 4096
PAD_L = 2
TW = W + 8

BB = 8192
NG = 4
NL = N // NG
NR = 8
CR = 1024

_INV2PI = 0.15915494309189535
_MAGIC = 12582912.0
_C1 = 6.28125
_C2 = 0.0019353071795864769
_SIN_P = (
    9.9999999420e-01,
    -1.6666664500e-01,
    8.3333096487e-03,
    -1.9840126801e-04,
    2.7528926525e-06,
    -2.4672325863e-08,
    1.3435869084e-10,
)


def _fast_sin(a):
    n = a * _INV2PI + _MAGIC - _MAGIC
    r = a - n * _C1 - n * _C2
    r2 = r * r
    p = _SIN_P[6]
    for k in (5, 4, 3, 2, 1, 0):
        p = p * r2 + _SIN_P[k]
    return p * r


_NV = M * N // 8


def _coord_body(xr_ref, g_ref, h_ref, o_ref):
    gb = g_ref[...]
    hb = h_ref[...]

    @pl.loop(0, BB, step=128)
    def _tile(i):
        xs = xr_ref[:, :, pl.ds(i, 128)]
        a = hb + gb[0] * xs[0][None]
        a += gb[1] * xs[1][None]
        a += gb[2] * xs[2][None]
        s = _fast_sin(a)
        gx = s[0:4] * s[4:8] * s[8:12]
        ix = ((gx + 1.0) * W - 1.0) * 0.5
        jj = i >> 7
        for g in range(NG):
            o_ref[g, jj, :, :] = ix[g]


def _coords(xrep, gb, hb, bn):
    return pl.pallas_call(
        _coord_body,
        grid=(bn // BB,),
        in_specs=[
            pl.BlockSpec((IN_DIM, 8, BB), lambda i: (0, 0, i)),
            pl.BlockSpec((IN_DIM, _NV, 8, 128), lambda i: (0, 0, 0, 0)),
            pl.BlockSpec((_NV, 8, 128), lambda i: (0, 0, 0)),
        ],
        out_specs=pl.BlockSpec(
            (NG, BB // 128, NL, 128), lambda i: (0, i, 0, 0)
        ),
        out_shape=jax.ShapeDtypeStruct(
            (NG, bn // 128, NL, 128), jnp.float32
        ),
    )(xrep, gb, hb)


def _interp_call(ix_lin, tabs, bn):
    rt = bn // NR
    nch = rt // CR
    mesh = plsc.VectorSubcoreMesh(
        core_axis_name="c", subcore_axis_name="s", num_cores=2, num_subcores=16
    )

    @functools.partial(
        pl.kernel,
        out_type=jax.ShapeDtypeStruct((bn * N * C // 128, 128), jnp.float32),
        mesh=mesh,
        scratch_types=[
            pltpu.VMEM((C, NL, TW), jnp.float32),
            pltpu.VMEM((2, CR // 128, NL, 128), jnp.float32),
            pltpu.VMEM((2, 2, CR // 2, NL * C), jnp.float32),
            pltpu.SemaphoreType.DMA((2,)),
            pltpu.SemaphoreType.DMA((2,)),
        ],
        compiler_params=pltpu.CompilerParams(
            use_tc_tiling_on_sc=False, needs_layout_passes=False
        ),
    )
    def run(ix_hbm, tab_hbm, out_hbm, tab_v, ix_v, out_v, isem, osem):
        wid = lax.axis_index("s") * 2 + lax.axis_index("c")
        grp = wid % NG
        rng = wid // NG
        rows0 = rng * rt
        pltpu.sync_copy(tab_hbm.at[:, pl.ds(grp * NL, NL), :], tab_v)

        lane = lax.iota(jnp.int32, 16)
        lvl = lane & (NL - 1)
        coloff = lane >> 3
        ch0 = lvl * C
        czero = jnp.zeros((16,), jnp.int32)
        cone = czero + 1

        colt0 = rng * (rt // 128)

        def in_copy(j, s):
            return pltpu.make_async_copy(
                ix_hbm.at[grp, pl.ds(colt0 + j * (CR // 128), CR // 128), :, :],
                ix_v.at[s],
                isem.at[s],
            )

        def out_copy(j, s, p):
            return pltpu.make_async_copy(
                out_v.at[s, p],
                out_hbm.at[
                    pl.ds((rows0 + j * CR) // 2, CR // 2),
                    pl.ds(p * (N * C) + grp * NL * C, NL * C),
                ],
                osem.at[s],
            )

        in_copy(0, 0).start()
        in_copy(1, 1).start()

        @pl.loop(0, nch, step=2)
        def _chunk(j0):
            for s in (0, 1):
                j = j0 + s

                @pl.when(j0 >= 2)
                def _():
                    out_copy(j - 2, s, 0).wait()
                    out_copy(j - 2, s, 1).wait()

                in_copy(j, s).wait()

                @pl.loop(0, CR // 128, step=1)
                def _jt(jt):
                    jtv = czero + jt
                    jcol = jt * 128

                    @plsc.parallel_loop(0, 128, step=2, unroll=4)
                    def _vec(c):
                        colv = coloff + c
                        ix = plsc.load_gather(
                            ix_v.at[s], [jtv, lvl, colv]
                        )
                        ixp1 = ix + 1.0
                        base = ixp1.astype(jnp.int32)
                        t = ixp1 - base.astype(jnp.float32)
                        t2 = t * t
                        t3 = t2 * t
                        w0 = -0.75 * (t3 - 2.0 * t2 + t)
                        w3 = -0.75 * (t2 - t3)
                        w1 = 1.25 * t3 - 2.25 * t2 + 1.0
                        w2 = 1.0 - w0 - w1 - w3
                        v00 = plsc.load_gather(tab_v, [czero, lvl, base])
                        v01 = plsc.load_gather(tab_v, [cone, lvl, base])
                        v10 = plsc.load_gather(tab_v, [czero, lvl, base + 1])
                        v11 = plsc.load_gather(tab_v, [cone, lvl, base + 1])
                        v20 = plsc.load_gather(tab_v, [czero, lvl, base + 2])
                        v21 = plsc.load_gather(tab_v, [cone, lvl, base + 2])
                        v30 = plsc.load_gather(tab_v, [czero, lvl, base + 3])
                        v31 = plsc.load_gather(tab_v, [cone, lvl, base + 3])
                        acc0 = w0 * v00 + w1 * v10 + w2 * v20 + w3 * v30
                        acc1 = w0 * v01 + w1 * v11 + w2 * v21 + w3 * v31
                        rowh = czero + ((jcol + c) >> 1)
                        plsc.store_scatter(
                            out_v.at[s], [coloff, rowh, ch0], acc0
                        )
                        plsc.store_scatter(
                            out_v.at[s], [coloff, rowh, ch0 + 1], acc1
                        )

                out_copy(j, s, 0).start()
                out_copy(j, s, 1).start()

                @pl.when(j + 2 < nch)
                def _():
                    in_copy(j + 2, s).start()

        out_copy(nch - 2, 0, 0).wait()
        out_copy(nch - 2, 0, 1).wait()
        out_copy(nch - 1, 1, 0).wait()
        out_copy(nch - 1, 1, 1).wait()

    return run(ix_lin, tabs)


def kernel(x, grids, G, H, size):
    bn = x.shape[0]
    xt = x.T
    xrep = jnp.broadcast_to(xt[:, None, :], (IN_DIM, 8, bn))
    gb = jnp.broadcast_to(
        G.reshape(IN_DIM, M * N).reshape(IN_DIM, _NV, 8, 1),
        (IN_DIM, _NV, 8, 128),
    )
    hb = jnp.broadcast_to(H.reshape(M * N).reshape(_NV, 8, 1), (_NV, 8, 128))
    tabs = jnp.pad(
        jnp.transpose(grids, (1, 0, 2)), ((0, 0), (0, 0), (PAD_L, TW - W - PAD_L))
    )
    ix_lin = _coords(xrep, gb, hb, bn)
    out_lin = _interp_call(ix_lin, tabs, bn)
    return out_lin.reshape(bn, N * C)

# --- scband reference (transcript-rebuilt; emitter-appended) ---
"""Pipeline reference for scband-trig-hash-grid-60155311948498 (READ-ONLY COPY).

The authoritative reference and input builder live on the scoring server;
editing this copy changes nothing except your own understanding.
"""

import jax, jax.numpy as jnp
import numpy as np

IN_DIM = 3
OUT_DIM = 64
NUM_PER_LEVEL = 2
LEVEL_DIM = 4096
MAX_FREQ = 10.0
M = 3
N = OUT_DIM // NUM_PER_LEVEL
B = 131072


def setup_inputs(seed: int = 0) -> dict:
    key = jax.random.key(seed)
    k1, k2, k3 = jax.random.split(key, 3)
    x = jax.random.normal(k1, (B, IN_DIM), dtype=jnp.float32)
    # grids: ParameterList of N tensors (1, C, 1, W) -> stacked as (N, C, W)
    grids = 0.1 * jnp.ones((N, NUM_PER_LEVEL, LEVEL_DIM), dtype=jnp.float32)
    G = jax.random.normal(k2, (IN_DIM, M, N), dtype=jnp.float32) * MAX_FREQ
    H = jax.random.normal(k3, (M, N), dtype=jnp.float32) * MAX_FREQ
    return {"x": x, "grids": grids, "G": G, "H": H, "size": LEVEL_DIM}


def _cubic_weights(t):
    # PyTorch bicubic kernel, a = -0.75; offsets (-1, 0, 1, 2), t in [0,1)
    A = -0.75
    w0 = A * t * (t - 1.0) ** 2
    w1 = (A + 2.0) * t ** 3 - (A + 3.0) * t ** 2 + 1.0
    s = 1.0 - t
    w2 = (A + 2.0) * s ** 3 - (A + 3.0) * s ** 2 + 1.0
    w3 = A * s * t ** 2
    return (w0, w1, w2, w3)


def _forward(x, grids, G, H):
    Bn = x.shape[0]
    a = x @ G.reshape(IN_DIM, -1)  # (B, M*N)
    gx = jnp.sin(a.reshape(Bn, M, N) + H.reshape(1, M, N)).prod(axis=1)  # (B, N) in [-1, 1]
    W = grids.shape[-1]
    # grid_sample bicubic, align_corners=False, padding_mode='zeros'.
    # y-coordinate is identically 0 on an H=1 grid -> exact identity along H
    # (cubic weights at t=0 are [0,1,0,0]); only 1D bicubic along W remains.
    ix = ((gx + 1.0) * W - 1.0) / 2.0
    ix0 = jnp.floor(ix)
    t = ix - ix0
    ws = _cubic_weights(t)
    ix0i = ix0.astype(jnp.int32)
    gT = jnp.transpose(grids, (0, 2, 1))  # (N, W, C)
    acc = jnp.zeros((N, Bn, NUM_PER_LEVEL), dtype=x.dtype)
    for k in range(4):
        idx = ix0i + (k - 1)  # (B, N)
        valid = (idx >= 0) & (idx < W)
        idxc = jnp.clip(idx, 0, W - 1)
        vals = jnp.take_along_axis(gT, idxc.T[:, :, None], axis=1)  # (N, B, C)
        vals = vals * valid.T[:, :, None].astype(x.dtype)
        acc = acc + ws[k].T[:, :, None] * vals
    # torch: emb_i = (B, C); cat over i along last dim -> (B, N*C)
    out = jnp.transpose(acc, (1, 0, 2)).reshape(Bn, N * NUM_PER_LEVEL)
    return out


def reference(x, grids, G, H, size):
    return _forward(x, grids, G, H)

if __name__ == "__main__":
    import jax
    _d = setup_inputs()
    print(jax.jit(kernel)(*tuple(_d.values())))

</pallas_src>

<mosaic_0001>
#map = affine_map<(d0, d1) -> (0, 0, 0, 0)>
#map1 = affine_map<(d0, d1) -> (0, 0, 0)>
#map2 = affine_map<(d0, d1) -> (0, 0)>
module attributes {stable_mosaic.version = 14 : i64} {
  func.func @run(%arg0: i32, %arg1: i32, %arg2: memref<4x1024x8x128xf32, #tpu.memory_space<hbm>>, %arg3: memref<2x32x4104xf32, #tpu.memory_space<hbm>>, %arg4: memref<65536x128xf32, #tpu.memory_space<hbm>>, %arg5: memref<2x8x4104xf32, #tpu.memory_space<vmem>>, %arg6: memref<2x8x8x128xf32, #tpu.memory_space<vmem>>, %arg7: memref<2x2x512x16xf32, #tpu.memory_space<vmem>>, %arg8: memref<2x!tpu.dma_semaphore, #tpu.memory_space<semaphore_mem>>, %arg9: memref<2x!tpu.dma_semaphore, #tpu.memory_space<semaphore_mem>>) attributes {dimension_semantics = [#tpu.dimension_semantics<core_parallel>, #tpu.dimension_semantics<subcore_parallel>], iteration_bounds = array<i64: 2, 16>, scalar_prefetch = 0 : i64, scratch_operands = 5 : i64, tpu.core_type = #tpu.core_type<sc_vector_subcore>, window_params = [{transform_indices = #map}, {transform_indices = #map1}, {transform_indices = #map2}]} {
    %mul3A = arith.constant 2 : i32
    %mul3A_0 = arith.muli %arg1, %mul3A : i32
    %add3A = arith.addi %mul3A_0, %arg0 : i32
    %jit3A = arith.constant 4 : i32
    %eq3A = arith.constant 0 : i32
    %eq3A_1 = arith.cmpi eq, %jit3A, %eq3A : i32
    %jit3A_2 = arith.constant 1 : i32
    %select_n3A = arith.select %eq3A_1, %jit3A_2, %jit3A : i32
    %rem3A = arith.remsi %add3A, %select_n3A : i32
    %ne3A = arith.constant 0 : i32
    %ne3A_3 = arith.cmpi ne, %rem3A, %ne3A : i32
    %lt3A = arith.constant 0 : i32
    %lt3A_4 = arith.cmpi slt, %rem3A, %lt3A : i32
    %lt3A_5 = arith.constant 0 : i32
    %lt3A_6 = arith.cmpi slt, %select_n3A, %lt3A_5 : i32
    %ne3A_7 = arith.xori %lt3A_4, %lt3A_6 : i1
    %and3A = arith.andi %ne3A_7, %ne3A_3 : i1
    %add3A_8 = arith.addi %rem3A, %select_n3A : i32
    %select_n3A_9 = arith.select %and3A, %add3A_8, %rem3A : i32
    %jit3A_10 = arith.constant 4 : i32
    %div3A = arith.divsi %add3A, %jit3A_10 : i32
    %sign3A = arith.constant 0 : i32
    %sign3A_11 = arith.cmpi sgt, %add3A, %sign3A : i32
    %sign3A_12 = arith.extui %sign3A_11 : i1 to i32
    %sign3A_13 = arith.constant 0 : i32
    %sign3A_14 = arith.cmpi slt, %add3A, %sign3A_13 : i32
    %sign3A_15 = arith.extui %sign3A_14 : i1 to i32
    %sign3A_16 = arith.subi %sign3A_12, %sign3A_15 : i32
    %sign3A_17 = arith.constant 0 : i32
    %sign3A_18 = arith.cmpi sgt, %jit3A_10, %sign3A_17 : i32
    %sign3A_19 = arith.extui %sign3A_18 : i1 to i32
    %sign3A_20 = arith.constant 0 : i32
    %sign3A_21 = arith.cmpi slt, %jit3A_10, %sign3A_20 : i32
    %sign3A_22 = arith.extui %sign3A_21 : i1 to i32
    %sign3A_23 = arith.subi %sign3A_19, %sign3A_22 : i32
    %ne3A_24 = arith.cmpi ne, %sign3A_16, %sign3A_23 : i32
    %rem3A_25 = arith.remsi %add3A, %jit3A_10 : i32
    %ne3A_26 = arith.constant 0 : i32
    %ne3A_27 = arith.cmpi ne, %rem3A_25, %ne3A_26 : i32
    %and3A_28 = arith.andi %ne3A_24, %ne3A_27 : i1
    %sub3A = arith.constant 1 : i32
    %sub3A_29 = arith.subi %div3A, %sub3A : i32
    %select_n3A_30 = arith.select %and3A_28, %sub3A_29, %div3A : i32
    %mul3A_31 = arith.constant 16384 : i32
    %mul3A_32 = arith.muli %select_n3A_30, %mul3A_31 : i32
    %mul3A_33 = arith.constant 8 : i32
    %mul3A_34 = arith.muli %select_n3A_9, %mul3A_33 : i32
    "tpu.region"() ({
      %run_scoped3A = tpu.sem_alloc : memref<!tpu.dma_semaphore, #tpu.memory_space<semaphore_mem>>
      %dma_start3A_287 = arith.constant 0 : i32
      %dma_start3A_288 = arith.constant 0 : i32
      %dma_start3A_289 = tpu.memref_slice %arg3[%dma_start3A_287, %mul3A_34, %dma_start3A_288] : memref<2x32x4104xf32, #tpu.memory_space<hbm>> -> memref<2x8x4104xf32, #tpu.memory_space<hbm>>
      %dma_start3A_290 = arith.constant 0 : i32
      %dma_start3A_291 = arith.constant 0 : i32
      %dma_start3A_292 = tpu.memref_slice %arg3[%dma_start3A_290, %mul3A_34, %dma_start3A_291] : memref<2x32x4104xf32, #tpu.memory_space<hbm>> -> memref<2x8x4104xf32, #tpu.memory_space<hbm>>
      tpu.enqueue_dma source(%dma_start3A_292 : memref<2x8x4104xf32, #tpu.memory_space<hbm>>) target(%arg5 : memref<2x8x4104xf32, #tpu.memory_space<vmem>>) target_semaphore(%run_scoped3A : memref<!tpu.dma_semaphore, #tpu.memory_space<semaphore_mem>>)
      %dma_wait3A_293 = arith.constant 0 : i32
      %dma_wait3A_294 = arith.constant 0 : i32
      %dma_wait3A_295 = tpu.memref_slice %arg3[%dma_wait3A_293, %mul3A_34, %dma_wait3A_294] : memref<2x32x4104xf32, #tpu.memory_space<hbm>> -> memref<2x8x4104xf32, #tpu.memory_space<hbm>>
      %dma_wait3A_296 = arith.constant 0 : i32
      %dma_wait3A_297 = arith.constant 0 : i32
      %dma_wait3A_298 = tpu.memref_slice %arg3[%dma_wait3A_296, %mul3A_34, %dma_wait3A_297] : memref<2x32x4104xf32, #tpu.memory_space<hbm>> -> memref<2x8x4104xf32, #tpu.memory_space<hbm>>
      tpu.wait_dma2 semaphore(%run_scoped3A : memref<!tpu.dma_semaphore, #tpu.memory_space<semaphore_mem>>) src(%dma_wait3A_298 : memref<2x8x4104xf32, #tpu.memory_space<hbm>>) dst(%arg5 : memref<2x8x4104xf32, #tpu.memory_space<vmem>>)
      tpu.yield
    }) : () -> ()
    %iota3A = tpu.iota {dimensions = array<i32: 0>} : vector<16xi32>
    %and3A_35 = arith.constant 7 : i32
    %and3A_36 = vector.broadcast %and3A_35 : i32 to vector<16xi32>
    %and3A_37 = arith.andi %iota3A, %and3A_36 : vector<16xi32>
    %shift_right_arithmetic3A = arith.constant 3 : i32
    %shift_right_arithmetic3A_38 = vector.broadcast %shift_right_arithmetic3A : i32 to vector<16xi32>
    %shift_right_arithmetic3A_39 = arith.shrsi %iota3A, %shift_right_arithmetic3A_38 : vector<16xi32>
    %mul3A_40 = arith.constant 2 : i32
    %mul3A_41 = vector.broadcast %mul3A_40 : i32 to vector<16xi32>
    %mul3A_42 = arith.muli %and3A_37, %mul3A_41 : vector<16xi32>
    %broadcast_in_dim3A = arith.constant 0 : i32
    %broadcast_in_dim3A_43 = vector.broadcast %broadcast_in_dim3A : i32 to vector<16xi32>
    %add3A_44 = arith.constant 1 : i32
    %add3A_45 = vector.broadcast %add3A_44 : i32 to vector<16xi32>
    %add3A_46 = arith.addi %broadcast_in_dim3A_43, %add3A_45 : vector<16xi32>
    %mul3A_47 = arith.constant 128 : i32
    %mul3A_48 = arith.muli %select_n3A_30, %mul3A_47 : i32
    %add3A_49 = arith.constant 0 : i32
    %add3A_50 = arith.addi %mul3A_48, %add3A_49 : i32
    %dma_start3A = arith.constant 0 : i32
    %dma_start3A_51 = arith.constant 0 : i32
    %dma_start3A_52 = arith.constant 0 : i32
    %dma_start3A_53 = arith.constant 0 : i32
    %dma_start3A_54 = arith.constant 0 : i32
    %dma_start3A_55 = tpu.memref_slice %arg6[%dma_start3A, %dma_start3A_52, %dma_start3A_53, %dma_start3A_54] : memref<2x8x8x128xf32, #tpu.memory_space<vmem>> -> memref<1x8x8x128xf32, #tpu.memory_space<vmem>>
    %dma_start3A_56 = tpu.memref_squeeze %dma_start3A_55 : memref<1x8x8x128xf32, #tpu.memory_space<vmem>> -> memref<8x8x128xf32, #tpu.memory_space<vmem>>
    %dma_start3A_57 = arith.constant 0 : i32
    %dma_start3A_58 = arith.constant 0 : i32
    %dma_start3A_59 = tpu.memref_slice %arg2[%select_n3A_9, %add3A_50, %dma_start3A_57, %dma_start3A_58] : memref<4x1024x8x128xf32, #tpu.memory_space<hbm>> -> memref<1x8x8x128xf32, #tpu.memory_space<hbm>>
    %dma_start3A_60 = tpu.memref_squeeze %dma_start3A_59 : memref<1x8x8x128xf32, #tpu.memory_space<hbm>> -> memref<8x8x128xf32, #tpu.memory_space<hbm>>
    %dma_start3A_61 = tpu.memref_slice %arg8[%dma_start3A_51] : memref<2x!tpu.dma_semaphore, #tpu.memory_space<semaphore_mem>> -> memref<1x!tpu.dma_semaphore, #tpu.memory_space<semaphore_mem>>
    %dma_start3A_62 = tpu.memref_squeeze %dma_start3A_61 : memref<1x!tpu.dma_semaphore, #tpu.memory_space<semaphore_mem>> -> memref<!tpu.dma_semaphore, #tpu.memory_space<semaphore_mem>>
    %dma_start3A_63 = arith.constant 0 : i32
    %dma_start3A_64 = arith.constant 0 : i32
    %dma_start3A_65 = arith.constant 0 : i32
    %dma_start3A_66 = tpu.memref_slice %arg6[%dma_start3A, %dma_start3A_63, %dma_start3A_64, %dma_start3A_65] : memref<2x8x8x128xf32, #tpu.memory_space<vmem>> -> memref<1x8x8x128xf32, #tpu.memory_space<vmem>>
    %dma_start3A_67 = tpu.memref_squeeze %dma_start3A_66 : memref<1x8x8x128xf32, #tpu.memory_space<vmem>> -> memref<8x8x128xf32, #tpu.memory_space<vmem>>
    %dma_start3A_68 = arith.constant 0 : i32
    %dma_start3A_69 = arith.constant 0 : i32
    %dma_start3A_70 = tpu.memref_slice %arg2[%select_n3A_9, %add3A_50, %dma_start3A_68, %dma_start3A_69] : memref<4x1024x8x128xf32, #tpu.memory_space<hbm>> -> memref<1x8x8x128xf32, #tpu.memory_space<hbm>>
    %dma_start3A_71 = tpu.memref_squeeze %dma_start3A_70 : memref<1x8x8x128xf32, #tpu.memory_space<hbm>> -> memref<8x8x128xf32, #tpu.memory_space<hbm>>
    tpu.enqueue_dma source(%dma_start3A_71 : memref<8x8x128xf32, #tpu.memory_space<hbm>>) target(%dma_start3A_67 : memref<8x8x128xf32, #tpu.memory_space<vmem>>) target_semaphore(%dma_start3A_62 : memref<!tpu.dma_semaphore, #tpu.memory_space<semaphore_mem>>)
    %add3A_72 = arith.constant 8 : i32
    %add3A_73 = arith.addi %mul3A_48, %add3A_72 : i32
    %dma_start3A_74 = arith.constant 1 : i32
    %dma_start3A_75 = arith.constant 1 : i32
    %dma_start3A_76 = arith.constant 0 : i32
    %dma_start3A_77 = arith.constant 0 : i32
    %dma_start3A_78 = arith.constant 0 : i32
    %dma_start3A_79 = tpu.memref_slice %arg6[%dma_start3A_74, %dma_start3A_76, %dma_start3A_77, %dma_start3A_78] : memref<2x8x8x128xf32, #tpu.memory_space<vmem>> -> memref<1x8x8x128xf32, #tpu.memory_space<vmem>>
    %dma_start3A_80 = tpu.memref_squeeze %dma_start3A_79 : memref<1x8x8x128xf32, #tpu.memory_space<vmem>> -> memref<8x8x128xf32, #tpu.memory_space<vmem>>
    %dma_start3A_81 = arith.constant 0 : i32
    %dma_start3A_82 = arith.constant 0 : i32
    %dma_start3A_83 = tpu.memref_slice %arg2[%select_n3A_9, %add3A_73, %dma_start3A_81, %dma_start3A_82] : memref<4x1024x8x128xf32, #tpu.memory_space<hbm>> -> memref<1x8x8x128xf32, #tpu.memory_space<hbm>>
    %dma_start3A_84 = tpu.memref_squeeze %dma_start3A_83 : memref<1x8x8x128xf32, #tpu.memory_space<hbm>> -> memref<8x8x128xf32, #tpu.memory_space<hbm>>
    %dma_start3A_85 = tpu.memref_slice %arg8[%dma_start3A_75] : memref<2x!tpu.dma_semaphore, #tpu.memory_space<semaphore_mem>> -> memref<1x!tpu.dma_semaphore, #tpu.memory_space<semaphore_mem>>
    %dma_start3A_86 = tpu.memref_squeeze %dma_start3A_85 : memref<1x!tpu.dma_semaphore, #tpu.memory_space<semaphore_mem>> -> memref<!tpu.dma_semaphore, #tpu.memory_space<semaphore_mem>>
    %dma_start3A_87 = arith.constant 0 : i32
    %dma_start3A_88 = arith.constant 0 : i32
    %dma_start3A_89 = arith.constant 0 : i32
    %dma_start3A_90 = tpu.memref_slice %arg6[%dma_start3A_74, %dma_start3A_87, %dma_start3A_88, %dma_start3A_89] : memref<2x8x8x128xf32, #tpu.memory_space<vmem>> -> memref<1x8x8x128xf32, #tpu.memory_space<vmem>>
    %dma_start3A_91 = tpu.memref_squeeze %dma_start3A_90 : memref<1x8x8x128xf32, #tpu.memory_space<vmem>> -> memref<8x8x128xf32, #tpu.memory_space<vmem>>
    %dma_start3A_92 = arith.constant 0 : i32
    %dma_start3A_93 = arith.constant 0 : i32
    %dma_start3A_94 = tpu.memref_slice %arg2[%select_n3A_9, %add3A_73, %dma_start3A_92, %dma_start3A_93] : memref<4x1024x8x128xf32, #tpu.memory_space<hbm>> -> memref<1x8x8x128xf32, #tpu.memory_space<hbm>>
    %dma_start3A_95 = tpu.memref_squeeze %dma_start3A_94 : memref<1x8x8x128xf32, #tpu.memory_space<hbm>> -> memref<8x8x128xf32, #tpu.memory_space<hbm>>
    tpu.enqueue_dma source(%dma_start3A_95 : memref<8x8x128xf32, #tpu.memory_space<hbm>>) target(%dma_start3A_91 : memref<8x8x128xf32, #tpu.memory_space<vmem>>) target_semaphore(%dma_start3A_86 : memref<!tpu.dma_semaphore, #tpu.memory_space<semaphore_mem>>)
    %scan3A = arith.constant 0 : i32
    %scan3A_96 = arith.constant 8 : i32
    %scan3A_97 = arith.addi %scan3A, %scan3A_96 : i32
    %scan3A_98 = arith.constant 1 : i32
    scf.for %scan3A_287 = %scan3A to %scan3A_97 step %scan3A_98  : i32 {
      %mul3A_288 = arith.constant 2 : i32
      %mul3A_289 = arith.muli %scan3A_287, %mul3A_288 : i32
      %add3A_290 = arith.constant 0 : i32
      %add3A_291 = arith.addi %add3A_290, %mul3A_289 : i32
      %add3A_292 = arith.constant 0 : i32
      %add3A_293 = arith.addi %add3A_291, %add3A_292 : i32
      %ge3A = arith.constant 2 : i32
      %ge3A_294 = arith.cmpi sge, %add3A_291, %ge3A : i32
      %convert_element_type3A = arith.extui %ge3A_294 : i1 to i32
      %cond3A = arith.constant 0 : i32
      %cond3A_295 = arith.cmpi ne, %convert_element_type3A, %cond3A : i32
      scf.if %cond3A_295 {
        %sub3A_569 = arith.constant 2 : i32
        %sub3A_570 = arith.subi %add3A_293, %sub3A_569 : i32
        %mul3A_571 = arith.constant 1024 : i32
        %mul3A_572 = arith.muli %sub3A_570, %mul3A_571 : i32
        %add3A_573 = arith.addi %mul3A_32, %mul3A_572 : i32
        %jit3A_574 = arith.constant 2 : i32
        %div3A_575 = arith.divsi %add3A_573, %jit3A_574 : i32
        %sign3A_576 = arith.constant 0 : i32
        %sign3A_577 = arith.cmpi sgt, %add3A_573, %sign3A_576 : i32
        %sign3A_578 = arith.extui %sign3A_577 : i1 to i32
        %sign3A_579 = arith.constant 0 : i32
        %sign3A_580 = arith.cmpi slt, %add3A_573, %sign3A_579 : i32
        %sign3A_581 = arith.extui %sign3A_580 : i1 to i32
        %sign3A_582 = arith.subi %sign3A_578, %sign3A_581 : i32
        %sign3A_583 = arith.constant 0 : i32
        %sign3A_584 = arith.cmpi sgt, %jit3A_574, %sign3A_583 : i32
        %sign3A_585 = arith.extui %sign3A_584 : i1 to i32
        %sign3A_586 = arith.constant 0 : i32
        %sign3A_587 = arith.cmpi slt, %jit3A_574, %sign3A_586 : i32
        %sign3A_588 = arith.extui %sign3A_587 : i1 to i32
        %sign3A_589 = arith.subi %sign3A_585, %sign3A_588 : i32
        %ne3A_590 = arith.cmpi ne, %sign3A_582, %sign3A_589 : i32
        %rem3A_591 = arith.remsi %add3A_573, %jit3A_574 : i32
        %ne3A_592 = arith.constant 0 : i32
        %ne3A_593 = arith.cmpi ne, %rem3A_591, %ne3A_592 : i32
        %and3A_594 = arith.andi %ne3A_590, %ne3A_593 : i1
        %sub3A_595 = arith.constant 1 : i32
        %sub3A_596 = arith.subi %div3A_575, %sub3A_595 : i32
        %select_n3A_597 = arith.select %and3A_594, %sub3A_596, %div3A_575 : i32
        %mul3A_598 = arith.constant 8 : i32
        %mul3A_599 = arith.muli %select_n3A_9, %mul3A_598 : i32
        %mul3A_600 = arith.constant 2 : i32
        %mul3A_601 = arith.muli %mul3A_599, %mul3A_600 : i32
        %add3A_602 = arith.constant 0 : i32
        %add3A_603 = arith.addi %add3A_602, %mul3A_601 : i32
        %dma_wait3A_604 = arith.constant 0 : i32
        %dma_wait3A_605 = arith.constant 0 : i32
        %dma_wait3A_606 = arith.constant 0 : i32
        %dma_wait3A_607 = arith.constant 0 : i32
        %dma_wait3A_608 = arith.constant 0 : i32
        %dma_wait3A_609 = tpu.memref_slice %arg7[%dma_wait3A_604, %dma_wait3A_605, %dma_wait3A_607, %dma_wait3A_608] : memref<2x2x512x16xf32, #tpu.memory_space<vmem>> -> memref<1x1x512x16xf32, #tpu.memory_space<vmem>>
        %dma_wait3A_610 = tpu.memref_squeeze %dma_wait3A_609 : memref<1x1x512x16xf32, #tpu.memory_space<vmem>> -> memref<512x16xf32, #tpu.memory_space<vmem>>
        %dma_wait3A_611 = tpu.memref_slice %arg4[%select_n3A_597, %add3A_603] : memref<65536x128xf32, #tpu.memory_space<hbm>> -> memref<512x16xf32, #tpu.memory_space<hbm>>
        %dma_wait3A_612 = tpu.memref_slice %arg9[%dma_wait3A_606] : memref<2x!tpu.dma_semaphore, #tpu.memory_space<semaphore_mem>> -> memref<1x!tpu.dma_semaphore, #tpu.memory_space<semaphore_mem>>
        %dma_wait3A_613 = tpu.memref_squeeze %dma_wait3A_612 : memref<1x!tpu.dma_semaphore, #tpu.memory_space<semaphore_mem>> -> memref<!tpu.dma_semaphore, #tpu.memory_space<semaphore_mem>>
        %dma_wait3A_614 = tpu.memref_slice %arg4[%select_n3A_597, %add3A_603] : memref<65536x128xf32, #tpu.memory_space<hbm>> -> memref<512x16xf32, #tpu.memory_space<hbm>>
        %dma_wait3A_615 = arith.constant 0 : i32
        %dma_wait3A_616 = arith.constant 0 : i32
        %dma_wait3A_617 = tpu.memref_slice %arg7[%dma_wait3A_604, %dma_wait3A_605, %dma_wait3A_615, %dma_wait3A_616] : memref<2x2x512x16xf32, #tpu.memory_space<vmem>> -> memref<1x1x512x16xf32, #tpu.memory_space<vmem>>
        %dma_wait3A_618 = tpu.memref_squeeze %dma_wait3A_617 : memref<1x1x512x16xf32, #tpu.memory_space<vmem>> -> memref<512x16xf32, #tpu.memory_space<vmem>>
        tpu.wait_dma2 semaphore(%dma_wait3A_613 : memref<!tpu.dma_semaphore, #tpu.memory_space<semaphore_mem>>) src(%dma_wait3A_618 : memref<512x16xf32, #tpu.memory_space<vmem>>) dst(%dma_wait3A_614 : memref<512x16xf32, #tpu.memory_space<hbm>>)
        %sub3A_619 = arith.constant 2 : i32
        %sub3A_620 = arith.subi %add3A_293, %sub3A_619 : i32
        %mul3A_621 = arith.constant 1024 : i32
        %mul3A_622 = arith.muli %sub3A_620, %mul3A_621 : i32
        %add3A_623 = arith.addi %mul3A_32, %mul3A_622 : i32
        %jit3A_624 = arith.constant 2 : i32
        %div3A_625 = arith.divsi %add3A_623, %jit3A_624 : i32
        %sign3A_626 = arith.constant 0 : i32
        %sign3A_627 = arith.cmpi sgt, %add3A_623, %sign3A_626 : i32
        %sign3A_628 = arith.extui %sign3A_627 : i1 to i32
        %sign3A_629 = arith.constant 0 : i32
        %sign3A_630 = arith.cmpi slt, %add3A_623, %sign3A_629 : i32
        %sign3A_631 = arith.extui %sign3A_630 : i1 to i32
        %sign3A_632 = arith.subi %sign3A_628, %sign3A_631 : i32
        %sign3A_633 = arith.constant 0 : i32
        %sign3A_634 = arith.cmpi sgt, %jit3A_624, %sign3A_633 : i32
        %sign3A_635 = arith.extui %sign3A_634 : i1 to i32
        %sign3A_636 = arith.constant 0 : i32
        %sign3A_637 = arith.cmpi slt, %jit3A_624, %sign3A_636 : i32
        %sign3A_638 = arith.extui %sign3A_637 : i1 to i32
        %sign3A_639 = arith.subi %sign3A_635, %sign3A_638 : i32
        %ne3A_640 = arith.cmpi ne, %sign3A_632, %sign3A_639 : i32
        %rem3A_641 = arith.remsi %add3A_623, %jit3A_624 : i32
        %ne3A_642 = arith.constant 0 : i32
        %ne3A_643 = arith.cmpi ne, %rem3A_641, %ne3A_642 : i32
        %and3A_644 = arith.andi %ne3A_640, %ne3A_643 : i1
        %sub3A_645 = arith.constant 1 : i32
        %sub3A_646 = arith.subi %div3A_625, %sub3A_645 : i32
        %select_n3A_647 = arith.select %and3A_644, %sub3A_646, %div3A_625 : i32
        %mul3A_648 = arith.constant 8 : i32
        %mul3A_649 = arith.muli %select_n3A_9, %mul3A_648 : i32
        %mul3A_650 = arith.constant 2 : i32
        %mul3A_651 = arith.muli %mul3A_649, %mul3A_650 : i32
        %add3A_652 = arith.constant 64 : i32
        %add3A_653 = arith.addi %add3A_652, %mul3A_651 : i32
        %dma_wait3A_654 = arith.constant 0 : i32
        %dma_wait3A_655 = arith.constant 1 : i32
        %dma_wait3A_656 = arith.constant 0 : i32
        %dma_wait3A_657 = arith.constant 0 : i32
        %dma_wait3A_658 = arith.constant 0 : i32
        %dma_wait3A_659 = tpu.memref_slice %arg7[%dma_wait3A_654, %dma_wait3A_655, %dma_wait3A_657, %dma_wait3A_658] : memref<2x2x512x16xf32, #tpu.memory_space<vmem>> -> memref<1x1x512x16xf32, #tpu.memory_space<vmem>>
        %dma_wait3A_660 = tpu.memref_squeeze %dma_wait3A_659 : memref<1x1x512x16xf32, #tpu.memory_space<vmem>> -> memref<512x16xf32, #tpu.memory_space<vmem>>
        %dma_wait3A_661 = tpu.memref_slice %arg4[%select_n3A_647, %add3A_653] : memref<65536x128xf32, #tpu.memory_space<hbm>> -> memref<512x16xf32, #tpu.memory_space<hbm>>
        %dma_wait3A_662 = tpu.memref_slice %arg9[%dma_wait3A_656] : memref<2x!tpu.dma_semaphore, #tpu.memory_space<semaphore_mem>> -> memref<1x!tpu.dma_semaphore, #tpu.memory_space<semaphore_mem>>
        %dma_wait3A_663 = tpu.memref_squeeze %dma_wait3A_662 : memref<1x!tpu.dma_semaphore, #tpu.memory_space<semaphore_mem>> -> memref<!tpu.dma_semaphore, #tpu.memory_space<semaphore_mem>>
        %dma_wait3A_664 = tpu.memref_slice %arg4[%select_n3A_647, %add3A_653] : memref<65536x128xf32, #tpu.memory_space<hbm>> -> memref<512x16xf32, #tpu.memory_space<hbm>>
        %dma_wait3A_665 = arith.constant 0 : i32
        %dma_wait3A_666 = arith.constant 0 : i32
        %dma_wait3A_667 = tpu.memref_slice %arg7[%dma_wait3A_654, %dma_wait3A_655, %dma_wait3A_665, %dma_wait3A_666] : memref<2x2x512x16xf32, #tpu.memory_space<vmem>> -> memref<1x1x512x16xf32, #tpu.memory_space<vmem>>
        %dma_wait3A_668 = tpu.memref_squeeze %dma_wait3A_667 : memref<1x1x512x16xf32, #tpu.memory_space<vmem>> -> memref<512x16xf32, #tpu.memory_space<vmem>>
        tpu.wait_dma2 semaphore(%dma_wait3A_663 : memref<!tpu.dma_semaphore, #tpu.memory_space<semaphore_mem>>) src(%dma_wait3A_668 : memref<512x16xf32, #tpu.memory_space<vmem>>) dst(%dma_wait3A_664 : memref<512x16xf32, #tpu.memory_space<hbm>>)
      } else {
      }
      %mul3A_296 = arith.constant 8 : i32
      %mul3A_297 = arith.muli %add3A_293, %mul3A_296 : i32
      %add3A_298 = arith.addi %mul3A_48, %mul3A_297 : i32
      %dma_wait3A_299 = arith.constant 0 : i32
      %dma_wait3A_300 = arith.constant 0 : i32
      %dma_wait3A_301 = arith.constant 0 : i32
      %dma_wait3A_302 = arith.constant 0 : i32
      %dma_wait3A_303 = arith.constant 0 : i32
      %dma_wait3A_304 = tpu.memref_slice %arg6[%dma_wait3A_299, %dma_wait3A_301, %dma_wait3A_302, %dma_wait3A_303] : memref<2x8x8x128xf32, #tpu.memory_space<vmem>> -> memref<1x8x8x128xf32, #tpu.memory_space<vmem>>
      %dma_wait3A_305 = tpu.memref_squeeze %dma_wait3A_304 : memref<1x8x8x128xf32, #tpu.memory_space<vmem>> -> memref<8x8x128xf32, #tpu.memory_space<vmem>>
      %dma_wait3A_306 = arith.constant 0 : i32
      %dma_wait3A_307 = arith.constant 0 : i32
      %dma_wait3A_308 = tpu.memref_slice %arg2[%select_n3A_9, %add3A_298, %dma_wait3A_306, %dma_wait3A_307] : memref<4x1024x8x128xf32, #tpu.memory_space<hbm>> -> memref<1x8x8x128xf32, #tpu.memory_space<hbm>>
      %dma_wait3A_309 = tpu.memref_squeeze %dma_wait3A_308 : memref<1x8x8x128xf32, #tpu.memory_space<hbm>> -> memref<8x8x128xf32, #tpu.memory_space<hbm>>
      %dma_wait3A_310 = tpu.memref_slice %arg8[%dma_wait3A_300] : memref<2x!tpu.dma_semaphore, #tpu.memory_space<semaphore_mem>> -> memref<1x!tpu.dma_semaphore, #tpu.memory_space<semaphore_mem>>
      %dma_wait3A_311 = tpu.memref_squeeze %dma_wait3A_310 : memref<1x!tpu.dma_semaphore, #tpu.memory_space<semaphore_mem>> -> memref<!tpu.dma_semaphore, #tpu.memory_space<semaphore_mem>>
      %dma_wait3A_312 = arith.constant 0 : i32
      %dma_wait3A_313 = arith.constant 0 : i32
      %dma_wait3A_314 = arith.constant 0 : i32
      %dma_wait3A_315 = tpu.memref_slice %arg6[%dma_wait3A_299, %dma_wait3A_312, %dma_wait3A_313, %dma_wait3A_314] : memref<2x8x8x128xf32, #tpu.memory_space<vmem>> -> memref<1x8x8x128xf32, #tpu.memory_space<vmem>>
      %dma_wait3A_316 = tpu.memref_squeeze %dma_wait3A_315 : memref<1x8x8x128xf32, #tpu.memory_space<vmem>> -> memref<8x8x128xf32, #tpu.memory_space<vmem>>
      %dma_wait3A_317 = arith.constant 0 : i32
      %dma_wait3A_318 = arith.constant 0 : i32
      %dma_wait3A_319 = tpu.memref_slice %arg2[%select_n3A_9, %add3A_298, %dma_wait3A_317, %dma_wait3A_318] : memref<4x1024x8x128xf32, #tpu.memory_space<hbm>> -> memref<1x8x8x128xf32, #tpu.memory_space<hbm>>
      %dma_wait3A_320 = tpu.memref_squeeze %dma_wait3A_319 : memref<1x8x8x128xf32, #tpu.memory_space<hbm>> -> memref<8x8x128xf32, #tpu.memory_space<hbm>>
      tpu.wait_dma2 semaphore(%dma_wait3A_311 : memref<!tpu.dma_semaphore, #tpu.memory_space<semaphore_mem>>) src(%dma_wait3A_320 : memref<8x8x128xf32, #tpu.memory_space<hbm>>) dst(%dma_wait3A_316 : memref<8x8x128xf32, #tpu.memory_space<vmem>>)
      %scan3A_321 = arith.constant 0 : i32
      %scan3A_322 = arith.constant 8 : i32
      %scan3A_323 = arith.addi %scan3A_321, %scan3A_322 : i32
      %scan3A_324 = arith.constant 1 : i32
      scf.for %scan3A_569 = %scan3A_321 to %scan3A_323 step %scan3A_324  : i32 {
        %mul3A_570 = arith.constant 1 : i32
        %mul3A_571 = arith.muli %scan3A_569, %mul3A_570 : i32
        %add3A_572 = arith.constant 0 : i32
        %add3A_573 = arith.addi %add3A_572, %mul3A_571 : i32
        %add3A_574 = vector.broadcast %add3A_573 : i32 to vector<16xi32>
        %add3A_575 = arith.addi %broadcast_in_dim3A_43, %add3A_574 : vector<16xi32>
        %mul3A_576 = arith.constant 128 : i32
        %mul3A_577 = arith.muli %add3A_573, %mul3A_576 : i32
        %parallel_loop3A = arith.constant 0 : i32
        %parallel_loop3A_578 = arith.constant 128 : i32
        %parallel_loop3A_579 = arith.constant 2 : i32
        scf.for %parallel_loop3A_580 = %parallel_loop3A to %parallel_loop3A_578 step %parallel_loop3A_579  : i32 {
          %parallel_loop3A_581 = vector.broadcast %parallel_loop3A_580 : i32 to vector<16xi32>
          %parallel_loop3A_582 = arith.addi %shift_right_arithmetic3A_39, %parallel_loop3A_581 : vector<16xi32>
          %parallel_loop3A_583 = arith.constant 0 : i32
          %parallel_loop3A_584 = arith.constant 0 : i32
          %parallel_loop3A_585 = arith.constant 0 : i32
          %parallel_loop3A_586 = arith.constant 0 : i32
          %parallel_loop3A_587 = tpu.memref_slice %arg6[%parallel_loop3A_583, %parallel_loop3A_584, %parallel_loop3A_585, %parallel_loop3A_586] : memref<2x8x8x128xf32, #tpu.memory_space<vmem>> -> memref<1x8x8x128xf32, #tpu.memory_space<vmem>>
          %parallel_loop3A_588 = tpu.memref_squeeze %parallel_loop3A_587 : memref<1x8x8x128xf32, #tpu.memory_space<vmem>> -> memref<8x8x128xf32, #tpu.memory_space<vmem>>
          %parallel_loop3A_589 = tpu.vector_load_idx %parallel_loop3A_588[%add3A_575, %and3A_37, %parallel_loop3A_582] : memref<8x8x128xf32, #tpu.memory_space<vmem>>[vector<16xi32>, vector<16xi32>, vector<16xi32>], vector<16xf32>,
          %parallel_loop3A_590 = arith.constant 1.000000e+00 : f32
          %parallel_loop3A_591 = vector.broadcast %parallel_loop3A_590 : f32 to vector<16xf32>
          %parallel_loop3A_592 = arith.addf %parallel_loop3A_589, %parallel_loop3A_591 : vector<16xf32>
          %parallel_loop3A_593 = arith.fptosi %parallel_loop3A_592 : vector<16xf32> to vector<16xi32>
          %parallel_loop3A_594 = arith.sitofp %parallel_loop3A_593 : vector<16xi32> to vector<16xf32>
          %parallel_loop3A_595 = arith.subf %parallel_loop3A_592, %parallel_loop3A_594 : vector<16xf32>
          %parallel_loop3A_596 = arith.mulf %parallel_loop3A_595, %parallel_loop3A_595 : vector<16xf32>
          %parallel_loop3A_597 = arith.mulf %parallel_loop3A_596, %parallel_loop3A_595 : vector<16xf32>
          %parallel_loop3A_598 = arith.constant 2.000000e+00 : f32
          %parallel_loop3A_599 = vector.broadcast %parallel_loop3A_598 : f32 to vector<16xf32>
          %parallel_loop3A_600 = arith.mulf %parallel_loop3A_599, %parallel_loop3A_596 : vector<16xf32>
          %parallel_loop3A_601 = arith.subf %parallel_loop3A_597, %parallel_loop3A_600 : vector<16xf32>
          %parallel_loop3A_602 = arith.addf %parallel_loop3A_601, %parallel_loop3A_595 : vector<16xf32>
          %parallel_loop3A_603 = arith.constant -7.500000e-01 : f32
          %parallel_loop3A_604 = vector.broadcast %parallel_loop3A_603 : f32 to vector<16xf32>
          %parallel_loop3A_605 = arith.mulf %parallel_loop3A_604, %parallel_loop3A_602 : vector<16xf32>
          %parallel_loop3A_606 = arith.subf %parallel_loop3A_596, %parallel_loop3A_597 : vector<16xf32>
          %parallel_loop3A_607 = arith.constant -7.500000e-01 : f32
          %parallel_loop3A_608 = vector.broadcast %parallel_loop3A_607 : f32 to vector<16xf32>
          %parallel_loop3A_609 = arith.mulf %parallel_loop3A_608, %parallel_loop3A_606 : vector<16xf32>
          %parallel_loop3A_610 = arith.constant 1.250000e+00 : f32
          %parallel_loop3A_611 = vector.broadcast %parallel_loop3A_610 : f32 to vector<16xf32>
          %parallel_loop3A_612 = arith.mulf %parallel_loop3A_611, %parallel_loop3A_597 : vector<16xf32>
          %parallel_loop3A_613 = arith.constant 2.250000e+00 : f32
          %parallel_loop3A_614 = vector.broadcast %parallel_loop3A_613 : f32 to vector<16xf32>
          %parallel_loop3A_615 = arith.mulf %parallel_loop3A_614, %parallel_loop3A_596 : vector<16xf32>
          %parallel_loop3A_616 = arith.subf %parallel_loop3A_612, %parallel_loop3A_615 : vector<16xf32>
          %parallel_loop3A_617 = arith.constant 1.000000e+00 : f32
          %parallel_loop3A_618 = vector.broadcast %parallel_loop3A_617 : f32 to vector<16xf32>
          %parallel_loop3A_619 = arith.addf %parallel_loop3A_616, %parallel_loop3A_618 : vector<16xf32>
          %parallel_loop3A_620 = arith.constant 1.000000e+00 : f32
          %parallel_loop3A_621 = vector.broadcast %parallel_loop3A_620 : f32 to vector<16xf32>
          %parallel_loop3A_622 = arith.subf %parallel_loop3A_621, %parallel_loop3A_605 : vector<16xf32>
          %parallel_loop3A_623 = arith.subf %parallel_loop3A_622, %parallel_loop3A_619 : vector<16xf32>
          %parallel_loop3A_624 = arith.subf %parallel_loop3A_623, %parallel_loop3A_609 : vector<16xf32>
          %parallel_loop3A_625 = tpu.vector_load_idx %arg5[%broadcast_in_dim3A_43, %and3A_37, %parallel_loop3A_593] : memref<2x8x4104xf32, #tpu.memory_space<vmem>>[vector<16xi32>, vector<16xi32>, vector<16xi32>], vector<16xf32>,
          %parallel_loop3A_626 = tpu.vector_load_idx %arg5[%add3A_46, %and3A_37, %parallel_loop3A_593] : memref<2x8x4104xf32, #tpu.memory_space<vmem>>[vector<16xi32>, vector<16xi32>, vector<16xi32>], vector<16xf32>,
          %parallel_loop3A_627 = arith.constant 1 : i32
          %parallel_loop3A_628 = vector.broadcast %parallel_loop3A_627 : i32 to vector<16xi32>
          %parallel_loop3A_629 = arith.addi %parallel_loop3A_593, %parallel_loop3A_628 : vector<16xi32>
          %parallel_loop3A_630 = tpu.vector_load_idx %arg5[%broadcast_in_dim3A_43, %and3A_37, %parallel_loop3A_629] : memref<2x8x4104xf32, #tpu.memory_space<vmem>>[vector<16xi32>, vector<16xi32>, vector<16xi32>], vector<16xf32>,
          %parallel_loop3A_631 = arith.constant 1 : i32
          %parallel_loop3A_632 = vector.broadcast %parallel_loop3A_631 : i32 to vector<16xi32>
          %parallel_loop3A_633 = arith.addi %parallel_loop3A_593, %parallel_loop3A_632 : vector<16xi32>
          %parallel_loop3A_634 = tpu.vector_load_idx %arg5[%add3A_46, %and3A_37, %parallel_loop3A_633] : memref<2x8x4104xf32, #tpu.memory_space<vmem>>[vector<16xi32>, vector<16xi32>, vector<16xi32>], vector<16xf32>,
          %parallel_loop3A_635 = arith.constant 2 : i32
          %parallel_loop3A_636 = vector.broadcast %parallel_loop3A_635 : i32 to vector<16xi32>
          %parallel_loop3A_637 = arith.addi %parallel_loop3A_593, %parallel_loop3A_636 : vector<16xi32>
          %parallel_loop3A_638 = tpu.vector_load_idx %arg5[%broadcast_in_dim3A_43, %and3A_37, %parallel_loop3A_637] : memref<2x8x4104xf32, #tpu.memory_space<vmem>>[vector<16xi32>, vector<16xi32>, vector<16xi32>], vector<16xf32>,
          %parallel_loop3A_639 = arith.constant 2 : i32
          %parallel_loop3A_640 = vector.broadcast %parallel_loop3A_639 : i32 to vector<16xi32>
          %parallel_loop3A_641 = arith.addi %parallel_loop3A_593, %parallel_loop3A_640 : vector<16xi32>
          %parallel_loop3A_642 = tpu.vector_load_idx %arg5[%add3A_46, %and3A_37, %parallel_loop3A_641] : memref<2x8x4104xf32, #tpu.memory_space<vmem>>[vector<16xi32>, vector<16xi32>, vector<16xi32>], vector<16xf32>,
          %parallel_loop3A_643 = arith.constant 3 : i32
          %parallel_loop3A_644 = vector.broadcast %parallel_loop3A_643 : i32 to vector<16xi32>
          %parallel_loop3A_645 = arith.addi %parallel_loop3A_593, %parallel_loop3A_644 : vector<16xi32>
          %parallel_loop3A_646 = tpu.vector_load_idx %arg5[%broadcast_in_dim3A_43, %and3A_37, %parallel_loop3A_645] : memref<2x8x4104xf32, #tpu.memory_space<vmem>>[vector<16xi32>, vector<16xi32>, vector<16xi32>], vector<16xf32>,
          %parallel_loop3A_647 = arith.constant 3 : i32
          %parallel_loop3A_648 = vector.broadcast %parallel_loop3A_647 : i32 to vector<16xi32>
          %parallel_loop3A_649 = arith.addi %parallel_loop3A_593, %parallel_loop3A_648 : vector<16xi32>
          %parallel_loop3A_650 = tpu.vector_load_idx %arg5[%add3A_46, %and3A_37, %parallel_loop3A_649] : memref<2x8x4104xf32, #tpu.memory_space<vmem>>[vector<16xi32>, vector<16xi32>, vector<16xi32>], vector<16xf32>,
          %parallel_loop3A_651 = arith.mulf %parallel_loop3A_605, %parallel_loop3A_625 : vector<16xf32>
          %parallel_loop3A_652 = arith.mulf %parallel_loop3A_619, %parallel_loop3A_630 : vector<16xf32>
          %parallel_loop3A_653 = arith.addf %parallel_loop3A_651, %parallel_loop3A_652 : vector<16xf32>
          %parallel_loop3A_654 = arith.mulf %parallel_loop3A_624, %parallel_loop3A_638 : vector<16xf32>
          %parallel_loop3A_655 = arith.addf %parallel_loop3A_653, %parallel_loop3A_654 : vector<16xf32>
          %parallel_loop3A_656 = arith.mulf %parallel_loop3A_609, %parallel_loop3A_646 : vector<16xf32>
          %parallel_loop3A_657 = arith.addf %parallel_loop3A_655, %parallel_loop3A_656 : vector<16xf32>
          %parallel_loop3A_658 = arith.mulf %parallel_loop3A_605, %parallel_loop3A_626 : vector<16xf32>
          %parallel_loop3A_659 = arith.mulf %parallel_loop3A_619, %parallel_loop3A_634 : vector<16xf32>
          %parallel_loop3A_660 = arith.addf %parallel_loop3A_658, %parallel_loop3A_659 : vector<16xf32>
          %parallel_loop3A_661 = arith.mulf %parallel_loop3A_624, %parallel_loop3A_642 : vector<16xf32>
          %parallel_loop3A_662 = arith.addf %parallel_loop3A_660, %parallel_loop3A_661 : vector<16xf32>
          %parallel_loop3A_663 = arith.mulf %parallel_loop3A_609, %parallel_loop3A_650 : vector<16xf32>
          %parallel_loop3A_664 = arith.addf %parallel_loop3A_662, %parallel_loop3A_663 : vector<16xf32>
          %parallel_loop3A_665 = arith.addi %mul3A_577, %parallel_loop3A_580 : i32
          %parallel_loop3A_666 = arith.constant 1 : i32
          %parallel_loop3A_667 = arith.shrsi %parallel_loop3A_665, %parallel_loop3A_666 : i32
          %parallel_loop3A_668 = vector.broadcast %parallel_loop3A_667 : i32 to vector<16xi32>
          %parallel_loop3A_669 = arith.addi %broadcast_in_dim3A_43, %parallel_loop3A_668 : vector<16xi32>
          %parallel_loop3A_670 = arith.constant 0 : i32
          %parallel_loop3A_671 = arith.constant 0 : i32
          %parallel_loop3A_672 = arith.constant 0 : i32
          %parallel_loop3A_673 = arith.constant 0 : i32
          %parallel_loop3A_674 = tpu.memref_slice %arg7[%parallel_loop3A_670, %parallel_loop3A_671, %parallel_loop3A_672, %parallel_loop3A_673] : memref<2x2x512x16xf32, #tpu.memory_space<vmem>> -> memref<1x2x512x16xf32, #tpu.memory_space<vmem>>
          %parallel_loop3A_675 = tpu.memref_squeeze %parallel_loop3A_674 : memref<1x2x512x16xf32, #tpu.memory_space<vmem>> -> memref<2x512x16xf32, #tpu.memory_space<vmem>>
          tpu.vector_store_idx %parallel_loop3A_675[%shift_right_arithmetic3A_39, %parallel_loop3A_669, %mul3A_42], %parallel_loop3A_657 : memref<2x512x16xf32, #tpu.memory_space<vmem>>[vector<16xi32>, vector<16xi32>, vector<16xi32>], vector<16xf32>,
          %parallel_loop3A_676 = arith.constant 1 : i32
          %parallel_loop3A_677 = vector.broadcast %parallel_loop3A_676 : i32 to vector<16xi32>
          %parallel_loop3A_678 = arith.addi %mul3A_42, %parallel_loop3A_677 : vector<16xi32>
          %parallel_loop3A_679 = arith.constant 0 : i32
          %parallel_loop3A_680 = arith.constant 0 : i32
          %parallel_loop3A_681 = arith.constant 0 : i32
          %parallel_loop3A_682 = arith.constant 0 : i32
          %parallel_loop3A_683 = tpu.memref_slice %arg7[%parallel_loop3A_679, %parallel_loop3A_680, %parallel_loop3A_681, %parallel_loop3A_682] : memref<2x2x512x16xf32, #tpu.memory_space<vmem>> -> memref<1x2x512x16xf32, #tpu.memory_space<vmem>>
          %parallel_loop3A_684 = tpu.memref_squeeze %parallel_loop3A_683 : memref<1x2x512x16xf32, #tpu.memory_space<vmem>> -> memref<2x512x16xf32, #tpu.memory_space<vmem>>
          tpu.vector_store_idx %parallel_loop3A_684[%shift_right_arithmetic3A_39, %parallel_loop3A_669, %parallel_loop3A_678], %parallel_loop3A_664 : memref<2x512x16xf32, #tpu.memory_space<vmem>>[vector<16xi32>, vector<16xi32>, vector<16xi32>], vector<16xf32>,
        } {sc.loop_unroll_factor = 4 : i64, sc.parallel_access}
      }
      %scan3A_325 = arith.constant 8 : i32
      %mul3A_326 = arith.constant 1024 : i32
      %mul3A_327 = arith.muli %add3A_293, %mul3A_326 : i32
      %add3A_328 = arith.addi %mul3A_32, %mul3A_327 : i32
      %jit3A_329 = arith.constant 2 : i32
      %div3A_330 = arith.divsi %add3A_328, %jit3A_329 : i32
      %sign3A_331 = arith.constant 0 : i32
      %sign3A_332 = arith.cmpi sgt, %add3A_328, %sign3A_331 : i32
      %sign3A_333 = arith.extui %sign3A_332 : i1 to i32
      %sign3A_334 = arith.constant 0 : i32
      %sign3A_335 = arith.cmpi slt, %add3A_328, %sign3A_334 : i32
      %sign3A_336 = arith.extui %sign3A_335 : i1 to i32
      %sign3A_337 = arith.subi %sign3A_333, %sign3A_336 : i32
      %sign3A_338 = arith.constant 0 : i32
      %sign3A_339 = arith.cmpi sgt, %jit3A_329, %sign3A_338 : i32
      %sign3A_340 = arith.extui %sign3A_339 : i1 to i32
      %sign3A_341 = arith.constant 0 : i32
      %sign3A_342 = arith.cmpi slt, %jit3A_329, %sign3A_341 : i32
      %sign3A_343 = arith.extui %sign3A_342 : i1 to i32
      %sign3A_344 = arith.subi %sign3A_340, %sign3A_343 : i32
      %ne3A_345 = arith.cmpi ne, %sign3A_337, %sign3A_344 : i32
      %rem3A_346 = arith.remsi %add3A_328, %jit3A_329 : i32
      %ne3A_347 = arith.constant 0 : i32
      %ne3A_348 = arith.cmpi ne, %rem3A_346, %ne3A_347 : i32
      %and3A_349 = arith.andi %ne3A_345, %ne3A_348 : i1
      %sub3A_350 = arith.constant 1 : i32
      %sub3A_351 = arith.subi %div3A_330, %sub3A_350 : i32
      %select_n3A_352 = arith.select %and3A_349, %sub3A_351, %div3A_330 : i32
      %mul3A_353 = arith.constant 8 : i32
      %mul3A_354 = arith.muli %select_n3A_9, %mul3A_353 : i32
      %mul3A_355 = arith.constant 2 : i32
      %mul3A_356 = arith.muli %mul3A_354, %mul3A_355 : i32
      %add3A_357 = arith.constant 0 : i32
      %add3A_358 = arith.addi %add3A_357, %mul3A_356 : i32
      %dma_start3A_359 = arith.constant 0 : i32
      %dma_start3A_360 = arith.constant 0 : i32
      %dma_start3A_361 = arith.constant 0 : i32
      %dma_start3A_362 = arith.constant 0 : i32
      %dma_start3A_363 = arith.constant 0 : i32
      %dma_start3A_364 = tpu.memref_slice %arg7[%dma_start3A_359, %dma_start3A_360, %dma_start3A_362, %dma_start3A_363] : memref<2x2x512x16xf32, #tpu.memory_space<vmem>> -> memref<1x1x512x16xf32, #tpu.memory_space<vmem>>
      %dma_start3A_365 = tpu.memref_squeeze %dma_start3A_364 : memref<1x1x512x16xf32, #tpu.memory_space<vmem>> -> memref<512x16xf32, #tpu.memory_space<vmem>>
      %dma_start3A_366 = tpu.memref_slice %arg4[%select_n3A_352, %add3A_358] : memref<65536x128xf32, #tpu.memory_space<hbm>> -> memref<512x16xf32, #tpu.memory_space<hbm>>
      %dma_start3A_367 = tpu.memref_slice %arg9[%dma_start3A_361] : memref<2x!tpu.dma_semaphore, #tpu.memory_space<semaphore_mem>> -> memref<1x!tpu.dma_semaphore, #tpu.memory_space<semaphore_mem>>
      %dma_start3A_368 = tpu.memref_squeeze %dma_start3A_367 : memref<1x!tpu.dma_semaphore, #tpu.memory_space<semaphore_mem>> -> memref<!tpu.dma_semaphore, #tpu.memory_space<semaphore_mem>>
      %dma_start3A_369 = tpu.memref_slice %arg4[%select_n3A_352, %add3A_358] : memref<65536x128xf32, #tpu.memory_space<hbm>> -> memref<512x16xf32, #tpu.memory_space<hbm>>
      %dma_start3A_370 = arith.constant 0 : i32
      %dma_start3A_371 = arith.constant 0 : i32
      %dma_start3A_372 = tpu.memref_slice %arg7[%dma_start3A_359, %dma_start3A_360, %dma_start3A_370, %dma_start3A_371] : memref<2x2x512x16xf32, #tpu.memory_space<vmem>> -> memref<1x1x512x16xf32, #tpu.memory_space<vmem>>
      %dma_start3A_373 = tpu.memref_squeeze %dma_start3A_372 : memref<1x1x512x16xf32, #tpu.memory_space<vmem>> -> memref<512x16xf32, #tpu.memory_space<vmem>>
      tpu.enqueue_dma source(%dma_start3A_373 : memref<512x16xf32, #tpu.memory_space<vmem>>) target(%dma_start3A_369 : memref<512x16xf32, #tpu.memory_space<hbm>>) target_semaphore(%dma_start3A_368 : memref<!tpu.dma_semaphore, #tpu.memory_space<semaphore_mem>>)
      %mul3A_374 = arith.constant 1024 : i32
      %mul3A_375 = arith.muli %add3A_293, %mul3A_374 : i32
      %add3A_376 = arith.addi %mul3A_32, %mul3A_375 : i32
      %jit3A_377 = arith.constant 2 : i32
      %div3A_378 = arith.divsi %add3A_376, %jit3A_377 : i32
      %sign3A_379 = arith.constant 0 : i32
      %sign3A_380 = arith.cmpi sgt, %add3A_376, %sign3A_379 : i32
      %sign3A_381 = arith.extui %sign3A_380 : i1 to i32
      %sign3A_382 = arith.constant 0 : i32
      %sign3A_383 = arith.cmpi slt, %add3A_376, %sign3A_382 : i32
      %sign3A_384 = arith.extui %sign3A_383 : i1 to i32
      %sign3A_385 = arith.subi %sign3A_381, %sign3A_384 : i32
      %sign3A_386 = arith.constant 0 : i32
      %sign3A_387 = arith.cmpi sgt, %jit3A_377, %sign3A_386 : i32
      %sign3A_388 = arith.extui %sign3A_387 : i1 to i32
      %sign3A_389 = arith.constant 0 : i32
      %sign3A_390 = arith.cmpi slt, %jit3A_377, %sign3A_389 : i32
      %sign3A_391 = arith.extui %sign3A_390 : i1 to i32
      %sign3A_392 = arith.subi %sign3A_388, %sign3A_391 : i32
      %ne3A_393 = arith.cmpi ne, %sign3A_385, %sign3A_392 : i32
      %rem3A_394 = arith.remsi %add3A_376, %jit3A_377 : i32
      %ne3A_395 = arith.constant 0 : i32
      %ne3A_396 = arith.cmpi ne, %rem3A_394, %ne3A_395 : i32
      %and3A_397 = arith.andi %ne3A_393, %ne3A_396 : i1
      %sub3A_398 = arith.constant 1 : i32
      %sub3A_399 = arith.subi %div3A_378, %sub3A_398 : i32
      %select_n3A_400 = arith.select %and3A_397, %sub3A_399, %div3A_378 : i32
      %mul3A_401 = arith.constant 8 : i32
      %mul3A_402 = arith.muli %select_n3A_9, %mul3A_401 : i32
      %mul3A_403 = arith.constant 2 : i32
      %mul3A_404 = arith.muli %mul3A_402, %mul3A_403 : i32
      %add3A_405 = arith.constant 64 : i32
      %add3A_406 = arith.addi %add3A_405, %mul3A_404 : i32
      %dma_start3A_407 = arith.constant 0 : i32
      %dma_start3A_408 = arith.constant 1 : i32
      %dma_start3A_409 = arith.constant 0 : i32
      %dma_start3A_410 = arith.constant 0 : i32
      %dma_start3A_411 = arith.constant 0 : i32
      %dma_start3A_412 = tpu.memref_slice %arg7[%dma_start3A_407, %dma_start3A_408, %dma_start3A_410, %dma_start3A_411] : memref<2x2x512x16xf32, #tpu.memory_space<vmem>> -> memref<1x1x512x16xf32, #tpu.memory_space<vmem>>
      %dma_start3A_413 = tpu.memref_squeeze %dma_start3A_412 : memref<1x1x512x16xf32, #tpu.memory_space<vmem>> -> memref<512x16xf32, #tpu.memory_space<vmem>>
      %dma_start3A_414 = tpu.memref_slice %arg4[%select_n3A_400, %add3A_406] : memref<65536x128xf32, #tpu.memory_space<hbm>> -> memref<512x16xf32, #tpu.memory_space<hbm>>
      %dma_start3A_415 = tpu.memref_slice %arg9[%dma_start3A_409] : memref<2x!tpu.dma_semaphore, #tpu.memory_space<semaphore_mem>> -> memref<1x!tpu.dma_semaphore, #tpu.memory_space<semaphore_mem>>
      %dma_start3A_416 = tpu.memref_squeeze %dma_start3A_415 : memref<1x!tpu.dma_semaphore, #tpu.memory_space<semaphore_mem>> -> memref<!tpu.dma_semaphore, #tpu.memory_space<semaphore_mem>>
      %dma_start3A_417 = tpu.memref_slice %arg4[%select_n3A_400, %add3A_406] : memref<65536x128xf32, #tpu.memory_space<hbm>> -> memref<512x16xf32, #tpu.memory_space<hbm>>
      %dma_start3A_418 = arith.constant 0 : i32
      %dma_start3A_419 = arith.constant 0 : i32
      %dma_start3A_420 = tpu.memref_slice %arg7[%dma_start3A_407, %dma_start3A_408, %dma_start3A_418, %dma_start3A_419] : memref<2x2x512x16xf32, #tpu.memory_space<vmem>> -> memref<1x1x512x16xf32, #tpu.memory_space<vmem>>
      %dma_start3A_421 = tpu.memref_squeeze %dma_start3A_420 : memref<1x1x512x16xf32, #tpu.memory_space<vmem>> -> memref<512x16xf32, #tpu.memory_space<vmem>>
      tpu.enqueue_dma source(%dma_start3A_421 : memref<512x16xf32, #tpu.memory_space<vmem>>) target(%dma_start3A_417 : memref<512x16xf32, #tpu.memory_space<hbm>>) target_semaphore(%dma_start3A_416 : memref<!tpu.dma_semaphore, #tpu.memory_space<semaphore_mem>>)
      %add3A_422 = arith.constant 2 : i32
      %add3A_423 = arith.addi %add3A_293, %add3A_422 : i32
      %lt3A_424 = arith.constant 16 : i32
      %lt3A_425 = arith.cmpi slt, %add3A_423, %lt3A_424 : i32
      %convert_element_type3A_426 = arith.extui %lt3A_425 : i1 to i32
      %cond3A_427 = arith.constant 0 : i32
      %cond3A_428 = arith.cmpi ne, %convert_element_type3A_426, %cond3A_427 : i32
      scf.if %cond3A_428 {
        %add3A_569 = arith.constant 2 : i32
        %add3A_570 = arith.addi %add3A_293, %add3A_569 : i32
        %mul3A_571 = arith.constant 8 : i32
        %mul3A_572 = arith.muli %add3A_570, %mul3A_571 : i32
        %add3A_573 = arith.addi %mul3A_48, %mul3A_572 : i32
        %dma_start3A_574 = arith.constant 0 : i32
        %dma_start3A_575 = arith.constant 0 : i32
        %dma_start3A_576 = arith.constant 0 : i32
        %dma_start3A_577 = arith.constant 0 : i32
        %dma_start3A_578 = arith.constant 0 : i32
        %dma_start3A_579 = tpu.memref_slice %arg6[%dma_start3A_574, %dma_start3A_576, %dma_start3A_577, %dma_start3A_578] : memref<2x8x8x128xf32, #tpu.memory_space<vmem>> -> memref<1x8x8x128xf32, #tpu.memory_space<vmem>>
        %dma_start3A_580 = tpu.memref_squeeze %dma_start3A_579 : memref<1x8x8x128xf32, #tpu.memory_space<vmem>> -> memref<8x8x128xf32, #tpu.memory_space<vmem>>
        %dma_start3A_581 = arith.constant 0 : i32
        %dma_start3A_582 = arith.constant 0 : i32
        %dma_start3A_583 = tpu.memref_slice %arg2[%select_n3A_9, %add3A_573, %dma_start3A_581, %dma_start3A_582] : memref<4x1024x8x128xf32, #tpu.memory_space<hbm>> -> memref<1x8x8x128xf32, #tpu.memory_space<hbm>>
        %dma_start3A_584 = tpu.memref_squeeze %dma_start3A_583 : memref<1x8x8x128xf32, #tpu.memory_space<hbm>> -> memref<8x8x128xf32, #tpu.memory_space<hbm>>
        %dma_start3A_585 = tpu.memref_slice %arg8[%dma_start3A_575] : memref<2x!tpu.dma_semaphore, #tpu.memory_space<semaphore_mem>> -> memref<1x!tpu.dma_semaphore, #tpu.memory_space<semaphore_mem>>
        %dma_start3A_586 = tpu.memref_squeeze %dma_start3A_585 : memref<1x!tpu.dma_semaphore, #tpu.memory_space<semaphore_mem>> -> memref<!tpu.dma_semaphore, #tpu.memory_space<semaphore_mem>>
        %dma_start3A_587 = arith.constant 0 : i32
        %dma_start3A_588 = arith.constant 0 : i32
        %dma_start3A_589 = arith.constant 0 : i32
        %dma_start3A_590 = tpu.memref_slice %arg6[%dma_start3A_574, %dma_start3A_587, %dma_start3A_588, %dma_start3A_589] : memref<2x8x8x128xf32, #tpu.memory_space<vmem>> -> memref<1x8x8x128xf32, #tpu.memory_space<vmem>>
        %dma_start3A_591 = tpu.memref_squeeze %dma_start3A_590 : memref<1x8x8x128xf32, #tpu.memory_space<vmem>> -> memref<8x8x128xf32, #tpu.memory_space<vmem>>
        %dma_start3A_592 = arith.constant 0 : i32
        %dma_start3A_593 = arith.constant 0 : i32
        %dma_start3A_594 = tpu.memref_slice %arg2[%select_n3A_9, %add3A_573, %dma_start3A_592, %dma_start3A_593] : memref<4x1024x8x128xf32, #tpu.memory_space<hbm>> -> memref<1x8x8x128xf32, #tpu.memory_space<hbm>>
        %dma_start3A_595 = tpu.memref_squeeze %dma_start3A_594 : memref<1x8x8x128xf32, #tpu.memory_space<hbm>> -> memref<8x8x128xf32, #tpu.memory_space<hbm>>
        tpu.enqueue_dma source(%dma_start3A_595 : memref<8x8x128xf32, #tpu.memory_space<hbm>>) target(%dma_start3A_591 : memref<8x8x128xf32, #tpu.memory_space<vmem>>) target_semaphore(%dma_start3A_586 : memref<!tpu.dma_semaphore, #tpu.memory_space<semaphore_mem>>)
      } else {
      }
      %add3A_429 = arith.constant 1 : i32
      %add3A_430 = arith.addi %add3A_291, %add3A_429 : i32
      %ge3A_431 = arith.constant 2 : i32
      %ge3A_432 = arith.cmpi sge, %add3A_291, %ge3A_431 : i32
      %convert_element_type3A_433 = arith.extui %ge3A_432 : i1 to i32
      %cond3A_434 = arith.constant 0 : i32
      %cond3A_435 = arith.cmpi ne, %convert_element_type3A_433, %cond3A_434 : i32
      scf.if %cond3A_435 {
        %sub3A_569 = arith.constant 2 : i32
        %sub3A_570 = arith.subi %add3A_430, %sub3A_569 : i32
        %mul3A_571 = arith.constant 1024 : i32
        %mul3A_572 = arith.muli %sub3A_570, %mul3A_571 : i32
        %add3A_573 = arith.addi %mul3A_32, %mul3A_572 : i32
        %jit3A_574 = arith.constant 2 : i32
        %div3A_575 = arith.divsi %add3A_573, %jit3A_574 : i32
        %sign3A_576 = arith.constant 0 : i32
        %sign3A_577 = arith.cmpi sgt, %add3A_573, %sign3A_576 : i32
        %sign3A_578 = arith.extui %sign3A_577 : i1 to i32
        %sign3A_579 = arith.constant 0 : i32
        %sign3A_580 = arith.cmpi slt, %add3A_573, %sign3A_579 : i32
        %sign3A_581 = arith.extui %sign3A_580 : i1 to i32
        %sign3A_582 = arith.subi %sign3A_578, %sign3A_581 : i32
        %sign3A_583 = arith.constant 0 : i32
        %sign3A_584 = arith.cmpi sgt, %jit3A_574, %sign3A_583 : i32
        %sign3A_585 = arith.extui %sign3A_584 : i1 to i32
        %sign3A_586 = arith.constant 0 : i32
        %sign3A_587 = arith.cmpi slt, %jit3A_574, %sign3A_586 : i32
        %sign3A_588 = arith.extui %sign3A_587 : i1 to i32
        %sign3A_589 = arith.subi %sign3A_585, %sign3A_588 : i32
        %ne3A_590 = arith.cmpi ne, %sign3A_582, %sign3A_589 : i32
        %rem3A_591 = arith.remsi %add3A_573, %jit3A_574 : i32
        %ne3A_592 = arith.constant 0 : i32
        %ne3A_593 = arith.cmpi ne, %rem3A_591, %ne3A_592 : i32
        %and3A_594 = arith.andi %ne3A_590, %ne3A_593 : i1
        %sub3A_595 = arith.constant 1 : i32
        %sub3A_596 = arith.subi %div3A_575, %sub3A_595 : i32
        %select_n3A_597 = arith.select %and3A_594, %sub3A_596, %div3A_575 : i32
        %mul3A_598 = arith.constant 8 : i32
        %mul3A_599 = arith.muli %select_n3A_9, %mul3A_598 : i32
        %mul3A_600 = arith.constant 2 : i32
        %mul3A_601 = arith.muli %mul3A_599, %mul3A_600 : i32
        %add3A_602 = arith.constant 0 : i32
        %add3A_603 = arith.addi %add3A_602, %mul3A_601 : i32
        %dma_wait3A_604 = arith.constant 1 : i32
        %dma_wait3A_605 = arith.constant 0 : i32
        %dma_wait3A_606 = arith.constant 1 : i32
        %dma_wait3A_607 = arith.constant 0 : i32
        %dma_wait3A_608 = arith.constant 0 : i32
        %dma_wait3A_609 = tpu.memref_slice %arg7[%dma_wait3A_604, %dma_wait3A_605, %dma_wait3A_607, %dma_wait3A_608] : memref<2x2x512x16xf32, #tpu.memory_space<vmem>> -> memref<1x1x512x16xf32, #tpu.memory_space<vmem>>
        %dma_wait3A_610 = tpu.memref_squeeze %dma_wait3A_609 : memref<1x1x512x16xf32, #tpu.memory_space<vmem>> -> memref<512x16xf32, #tpu.memory_space<vmem>>
        %dma_wait3A_611 = tpu.memref_slice %arg4[%select_n3A_597, %add3A_603] : memref<65536x128xf32, #tpu.memory_space<hbm>> -> memref<512x16xf32, #tpu.memory_space<hbm>>
        %dma_wait3A_612 = tpu.memref_slice %arg9[%dma_wait3A_606] : memref<2x!tpu.dma_semaphore, #tpu.memory_space<semaphore_mem>> -> memref<1x!tpu.dma_semaphore, #tpu.memory_space<semaphore_mem>>
        %dma_wait3A_613 = tpu.memref_squeeze %dma_wait3A_612 : memref<1x!tpu.dma_semaphore, #tpu.memory_space<semaphore_mem>> -> memref<!tpu.dma_semaphore, #tpu.memory_space<semaphore_mem>>
        %dma_wait3A_614 = tpu.memref_slice %arg4[%select_n3A_597, %add3A_603] : memref<65536x128xf32, #tpu.memory_space<hbm>> -> memref<512x16xf32, #tpu.memory_space<hbm>>
        %dma_wait3A_615 = arith.constant 0 : i32
        %dma_wait3A_616 = arith.constant 0 : i32
        %dma_wait3A_617 = tpu.memref_slice %arg7[%dma_wait3A_604, %dma_wait3A_605, %dma_wait3A_615, %dma_wait3A_616] : memref<2x2x512x16xf32, #tpu.memory_space<vmem>> -> memref<1x1x512x16xf32, #tpu.memory_space<vmem>>
        %dma_wait3A_618 = tpu.memref_squeeze %dma_wait3A_617 : memref<1x1x512x16xf32, #tpu.memory_space<vmem>> -> memref<512x16xf32, #tpu.memory_space<vmem>>
        tpu.wait_dma2 semaphore(%dma_wait3A_613 : memref<!tpu.dma_semaphore, #tpu.memory_space<semaphore_mem>>) src(%dma_wait3A_618 : memref<512x16xf32, #tpu.memory_space<vmem>>) dst(%dma_wait3A_614 : memref<512x16xf32, #tpu.memory_space<hbm>>)
        %sub3A_619 = arith.constant 2 : i32
        %sub3A_620 = arith.subi %add3A_430, %sub3A_619 : i32
        %mul3A_621 = arith.constant 1024 : i32
        %mul3A_622 = arith.muli %sub3A_620, %mul3A_621 : i32
        %add3A_623 = arith.addi %mul3A_32, %mul3A_622 : i32
        %jit3A_624 = arith.constant 2 : i32
        %div3A_625 = arith.divsi %add3A_623, %jit3A_624 : i32
        %sign3A_626 = arith.constant 0 : i32
        %sign3A_627 = arith.cmpi sgt, %add3A_623, %sign3A_626 : i32
        %sign3A_628 = arith.extui %sign3A_627 : i1 to i32
        %sign3A_629 = arith.constant 0 : i32
        %sign3A_630 = arith.cmpi slt, %add3A_623, %sign3A_629 : i32
        %sign3A_631 = arith.extui %sign3A_630 : i1 to i32
        %sign3A_632 = arith.subi %sign3A_628, %sign3A_631 : i32
        %sign3A_633 = arith.constant 0 : i32
        %sign3A_634 = arith.cmpi sgt, %jit3A_624, %sign3A_633 : i32
        %sign3A_635 = arith.extui %sign3A_634 : i1 to i32
        %sign3A_636 = arith.constant 0 : i32
        %sign3A_637 = arith.cmpi slt, %jit3A_624, %sign3A_636 : i32
        %sign3A_638 = arith.extui %sign3A_637 : i1 to i32
        %sign3A_639 = arith.subi %sign3A_635, %sign3A_638 : i32
        %ne3A_640 = arith.cmpi ne, %sign3A_632, %sign3A_639 : i32
        %rem3A_641 = arith.remsi %add3A_623, %jit3A_624 : i32
        %ne3A_642 = arith.constant 0 : i32
        %ne3A_643 = arith.cmpi ne, %rem3A_641, %ne3A_642 : i32
        %and3A_644 = arith.andi %ne3A_640, %ne3A_643 : i1
        %sub3A_645 = arith.constant 1 : i32
        %sub3A_646 = arith.subi %div3A_625, %sub3A_645 : i32
        %select_n3A_647 = arith.select %and3A_644, %sub3A_646, %div3A_625 : i32
        %mul3A_648 = arith.constant 8 : i32
        %mul3A_649 = arith.muli %select_n3A_9, %mul3A_648 : i32
        %mul3A_650 = arith.constant 2 : i32
        %mul3A_651 = arith.muli %mul3A_649, %mul3A_650 : i32
        %add3A_652 = arith.constant 64 : i32
        %add3A_653 = arith.addi %add3A_652, %mul3A_651 : i32
        %dma_wait3A_654 = arith.constant 1 : i32
        %dma_wait3A_655 = arith.constant 1 : i32
        %dma_wait3A_656 = arith.constant 1 : i32
        %dma_wait3A_657 = arith.constant 0 : i32
        %dma_wait3A_658 = arith.constant 0 : i32
        %dma_wait3A_659 = tpu.memref_slice %arg7[%dma_wait3A_654, %dma_wait3A_655, %dma_wait3A_657, %dma_wait3A_658] : memref<2x2x512x16xf32, #tpu.memory_space<vmem>> -> memref<1x1x512x16xf32, #tpu.memory_space<vmem>>
        %dma_wait3A_660 = tpu.memref_squeeze %dma_wait3A_659 : memref<1x1x512x16xf32, #tpu.memory_space<vmem>> -> memref<512x16xf32, #tpu.memory_space<vmem>>
        %dma_wait3A_661 = tpu.memref_slice %arg4[%select_n3A_647, %add3A_653] : memref<65536x128xf32, #tpu.memory_space<hbm>> -> memref<512x16xf32, #tpu.memory_space<hbm>>
        %dma_wait3A_662 = tpu.memref_slice %arg9[%dma_wait3A_656] : memref<2x!tpu.dma_semaphore, #tpu.memory_space<semaphore_mem>> -> memref<1x!tpu.dma_semaphore, #tpu.memory_space<semaphore_mem>>
        %dma_wait3A_663 = tpu.memref_squeeze %dma_wait3A_662 : memref<1x!tpu.dma_semaphore, #tpu.memory_space<semaphore_mem>> -> memref<!tpu.dma_semaphore, #tpu.memory_space<semaphore_mem>>
        %dma_wait3A_664 = tpu.memref_slice %arg4[%select_n3A_647, %add3A_653] : memref<65536x128xf32, #tpu.memory_space<hbm>> -> memref<512x16xf32, #tpu.memory_space<hbm>>
        %dma_wait3A_665 = arith.constant 0 : i32
        %dma_wait3A_666 = arith.constant 0 : i32
        %dma_wait3A_667 = tpu.memref_slice %arg7[%dma_wait3A_654, %dma_wait3A_655, %dma_wait3A_665, %dma_wait3A_666] : memref<2x2x512x16xf32, #tpu.memory_space<vmem>> -> memref<1x1x512x16xf32, #tpu.memory_space<vmem>>
        %dma_wait3A_668 = tpu.memref_squeeze %dma_wait3A_667 : memref<1x1x512x16xf32, #tpu.memory_space<vmem>> -> memref<512x16xf32, #tpu.memory_space<vmem>>
        tpu.wait_dma2 semaphore(%dma_wait3A_663 : memref<!tpu.dma_semaphore, #tpu.memory_space<semaphore_mem>>) src(%dma_wait3A_668 : memref<512x16xf32, #tpu.memory_space<vmem>>) dst(%dma_wait3A_664 : memref<512x16xf32, #tpu.memory_space<hbm>>)
      } else {
      }
      %mul3A_436 = arith.constant 8 : i32
      %mul3A_437 = arith.muli %add3A_430, %mul3A_436 : i32
      %add3A_438 = arith.addi %mul3A_48, %mul3A_437 : i32
      %dma_wait3A_439 = arith.constant 1 : i32
      %dma_wait3A_440 = arith.constant 1 : i32
      %dma_wait3A_441 = arith.constant 0 : i32
      %dma_wait3A_442 = arith.constant 0 : i32
      %dma_wait3A_443 = arith.constant 0 : i32
      %dma_wait3A_444 = tpu.memref_slice %arg6[%dma_wait3A_439, %dma_wait3A_441, %dma_wait3A_442, %dma_wait3A_443] : memref<2x8x8x128xf32, #tpu.memory_space<vmem>> -> memref<1x8x8x128xf32, #tpu.memory_space<vmem>>
      %dma_wait3A_445 = tpu.memref_squeeze %dma_wait3A_444 : memref<1x8x8x128xf32, #tpu.memory_space<vmem>> -> memref<8x8x128xf32, #tpu.memory_space<vmem>>
      %dma_wait3A_446 = arith.constant 0 : i32
      %dma_wait3A_447 = arith.constant 0 : i32
      %dma_wait3A_448 = tpu.memref_slice %arg2[%select_n3A_9, %add3A_438, %dma_wait3A_446, %dma_wait3A_447] : memref<4x1024x8x128xf32, #tpu.memory_space<hbm>> -> memref<1x8x8x128xf32, #tpu.memory_space<hbm>>
      %dma_wait3A_449 = tpu.memref_squeeze %dma_wait3A_448 : memref<1x8x8x128xf32, #tpu.memory_space<hbm>> -> memref<8x8x128xf32, #tpu.memory_space<hbm>>
      %dma_wait3A_450 = tpu.memref_slice %arg8[%dma_wait3A_440] : memref<2x!tpu.dma_semaphore, #tpu.memory_space<semaphore_mem>> -> memref<1x!tpu.dma_semaphore, #tpu.memory_space<semaphore_mem>>
      %dma_wait3A_451 = tpu.memref_squeeze %dma_wait3A_450 : memref<1x!tpu.dma_semaphore, #tpu.memory_space<semaphore_mem>> -> memref<!tpu.dma_semaphore, #tpu.memory_space<semaphore_mem>>
      %dma_wait3A_452 = arith.constant 0 : i32
      %dma_wait3A_453 = arith.constant 0 : i32
      %dma_wait3A_454 = arith.constant 0 : i32
      %dma_wait3A_455 = tpu.memref_slice %arg6[%dma_wait3A_439, %dma_wait3A_452, %dma_wait3A_453, %dma_wait3A_454] : memref<2x8x8x128xf32, #tpu.memory_space<vmem>> -> memref<1x8x8x128xf32, #tpu.memory_space<vmem>>
      %dma_wait3A_456 = tpu.memref_squeeze %dma_wait3A_455 : memref<1x8x8x128xf32, #tpu.memory_space<vmem>> -> memref<8x8x128xf32, #tpu.memory_space<vmem>>
      %dma_wait3A_457 = arith.constant 0 : i32
      %dma_wait3A_458 = arith.constant 0 : i32
      %dma_wait3A_459 = tpu.memref_slice %arg2[%select_n3A_9, %add3A_438, %dma_wait3A_457, %dma_wait3A_458] : memref<4x1024x8x128xf32, #tpu.memory_space<hbm>> -> memref<1x8x8x128xf32, #tpu.memory_space<hbm>>
      %dma_wait3A_460 = tpu.memref_squeeze %dma_wait3A_459 : memref<1x8x8x128xf32, #tpu.memory_space<hbm>> -> memref<8x8x128xf32, #tpu.memory_space<hbm>>
      tpu.wait_dma2 semaphore(%dma_wait3A_451 : memref<!tpu.dma_semaphore, #tpu.memory_space<semaphore_mem>>) src(%dma_wait3A_460 : memref<8x8x128xf32, #tpu.memory_space<hbm>>) dst(%dma_wait3A_456 : memref<8x8x128xf32, #tpu.memory_space<vmem>>)
      %scan3A_461 = arith.constant 0 : i32
      %scan3A_462 = arith.constant 8 : i32
      %scan3A_463 = arith.addi %scan3A_461, %scan3A_462 : i32
      %scan3A_464 = arith.constant 1 : i32
      scf.for %scan3A_569 = %scan3A_461 to %scan3A_463 step %scan3A_464  : i32 {
        %mul3A_570 = arith.constant 1 : i32
        %mul3A_571 = arith.muli %scan3A_569, %mul3A_570 : i32
        %add3A_572 = arith.constant 0 : i32
        %add3A_573 = arith.addi %add3A_572, %mul3A_571 : i32
        %add3A_574 = vector.broadcast %add3A_573 : i32 to vector<16xi32>
        %add3A_575 = arith.addi %broadcast_in_dim3A_43, %add3A_574 : vector<16xi32>
        %mul3A_576 = arith.constant 128 : i32
        %mul3A_577 = arith.muli %add3A_573, %mul3A_576 : i32
        %parallel_loop3A = arith.constant 0 : i32
        %parallel_loop3A_578 = arith.constant 128 : i32
        %parallel_loop3A_579 = arith.constant 2 : i32
        scf.for %parallel_loop3A_580 = %parallel_loop3A to %parallel_loop3A_578 step %parallel_loop3A_579  : i32 {
          %parallel_loop3A_581 = vector.broadcast %parallel_loop3A_580 : i32 to vector<16xi32>
          %parallel_loop3A_582 = arith.addi %shift_right_arithmetic3A_39, %parallel_loop3A_581 : vector<16xi32>
          %parallel_loop3A_583 = arith.constant 1 : i32
          %parallel_loop3A_584 = arith.constant 0 : i32
          %parallel_loop3A_585 = arith.constant 0 : i32
          %parallel_loop3A_586 = arith.constant 0 : i32
          %parallel_loop3A_587 = tpu.memref_slice %arg6[%parallel_loop3A_583, %parallel_loop3A_584, %parallel_loop3A_585, %parallel_loop3A_586] : memref<2x8x8x128xf32, #tpu.memory_space<vmem>> -> memref<1x8x8x128xf32, #tpu.memory_space<vmem>>
          %parallel_loop3A_588 = tpu.memref_squeeze %parallel_loop3A_587 : memref<1x8x8x128xf32, #tpu.memory_space<vmem>> -> memref<8x8x128xf32, #tpu.memory_space<vmem>>
          %parallel_loop3A_589 = tpu.vector_load_idx %parallel_loop3A_588[%add3A_575, %and3A_37, %parallel_loop3A_582] : memref<8x8x128xf32, #tpu.memory_space<vmem>>[vector<16xi32>, vector<16xi32>, vector<16xi32>], vector<16xf32>,
          %parallel_loop3A_590 = arith.constant 1.000000e+00 : f32
          %parallel_loop3A_591 = vector.broadcast %parallel_loop3A_590 : f32 to vector<16xf32>
          %parallel_loop3A_592 = arith.addf %parallel_loop3A_589, %parallel_loop3A_591 : vector<16xf32>
          %parallel_loop3A_593 = arith.fptosi %parallel_loop3A_592 : vector<16xf32> to vector<16xi32>
          %parallel_loop3A_594 = arith.sitofp %parallel_loop3A_593 : vector<16xi32> to vector<16xf32>
          %parallel_loop3A_595 = arith.subf %parallel_loop3A_592, %parallel_loop3A_594 : vector<16xf32>
          %parallel_loop3A_596 = arith.mulf %parallel_loop3A_595, %parallel_loop3A_595 : vector<16xf32>
          %parallel_loop3A_597 = arith.mulf %parallel_loop3A_596, %parallel_loop3A_595 : vector<16xf32>
          %parallel_loop3A_598 = arith.constant 2.000000e+00 : f32
          %parallel_loop3A_599 = vector.broadcast %parallel_loop3A_598 : f32 to vector<16xf32>
          %parallel_loop3A_600 = arith.mulf %parallel_loop3A_599, %parallel_loop3A_596 : vector<16xf32>
          %parallel_loop3A_601 = arith.subf %parallel_loop3A_597, %parallel_loop3A_600 : vector<16xf32>
          %parallel_loop3A_602 = arith.addf %parallel_loop3A_601, %parallel_loop3A_595 : vector<16xf32>
          %parallel_loop3A_603 = arith.constant -7.500000e-01 : f32
          %parallel_loop3A_604 = vector.broadcast %parallel_loop3A_603 : f32 to vector<16xf32>
          %parallel_loop3A_605 = arith.mulf %parallel_loop3A_604, %parallel_loop3A_602 : vector<16xf32>
          %parallel_loop3A_606 = arith.subf %parallel_loop3A_596, %parallel_loop3A_597 : vector<16xf32>
          %parallel_loop3A_607 = arith.constant -7.500000e-01 : f32
          %parallel_loop3A_608 = vector.broadcast %parallel_loop3A_607 : f32 to vector<16xf32>
          %parallel_loop3A_609 = arith.mulf %parallel_loop3A_608, %parallel_loop3A_606 : vector<16xf32>
          %parallel_loop3A_610 = arith.constant 1.250000e+00 : f32
          %parallel_loop3A_611 = vector.broadcast %parallel_loop3A_610 : f32 to vector<16xf32>
          %parallel_loop3A_612 = arith.mulf %parallel_loop3A_611, %parallel_loop3A_597 : vector<16xf32>
          %parallel_loop3A_613 = arith.constant 2.250000e+00 : f32
          %parallel_loop3A_614 = vector.broadcast %parallel_loop3A_613 : f32 to vector<16xf32>
          %parallel_loop3A_615 = arith.mulf %parallel_loop3A_614, %parallel_loop3A_596 : vector<16xf32>
          %parallel_loop3A_616 = arith.subf %parallel_loop3A_612, %parallel_loop3A_615 : vector<16xf32>
          %parallel_loop3A_617 = arith.constant 1.000000e+00 : f32
          %parallel_loop3A_618 = vector.broadcast %parallel_loop3A_617 : f32 to vector<16xf32>
          %parallel_loop3A_619 = arith.addf %parallel_loop3A_616, %parallel_loop3A_618 : vector<16xf32>
          %parallel_loop3A_620 = arith.constant 1.000000e+00 : f32
          %parallel_loop3A_621 = vector.broadcast %parallel_loop3A_620 : f32 to vector<16xf32>
          %parallel_loop3A_622 = arith.subf %parallel_loop3A_621, %parallel_loop3A_605 : vector<16xf32>
          %parallel_loop3A_623 = arith.subf %parallel_loop3A_622, %parallel_loop3A_619 : vector<16xf32>
          %parallel_loop3A_624 = arith.subf %parallel_loop3A_623, %parallel_loop3A_609 : vector<16xf32>
          %parallel_loop3A_625 = tpu.vector_load_idx %arg5[%broadcast_in_dim3A_43, %and3A_37, %parallel_loop3A_593] : memref<2x8x4104xf32, #tpu.memory_space<vmem>>[vector<16xi32>, vector<16xi32>, vector<16xi32>], vector<16xf32>,
          %parallel_loop3A_626 = tpu.vector_load_idx %arg5[%add3A_46, %and3A_37, %parallel_loop3A_593] : memref<2x8x4104xf32, #tpu.memory_space<vmem>>[vector<16xi32>, vector<16xi32>, vector<16xi32>], vector<16xf32>,
          %parallel_loop3A_627 = arith.constant 1 : i32
          %parallel_loop3A_628 = vector.broadcast %parallel_loop3A_627 : i32 to vector<16xi32>
          %parallel_loop3A_629 = arith.addi %parallel_loop3A_593, %parallel_loop3A_628 : vector<16xi32>
          %parallel_loop3A_630 = tpu.vector_load_idx %arg5[%broadcast_in_dim3A_43, %and3A_37, %parallel_loop3A_629] : memref<2x8x4104xf32, #tpu.memory_space<vmem>>[vector<16xi32>, vector<16xi32>, vector<16xi32>], vector<16xf32>,
          %parallel_loop3A_631 = arith.constant 1 : i32
          %parallel_loop3A_632 = vector.broadcast %parallel_loop3A_631 : i32 to vector<16xi32>
          %parallel_loop3A_633 = arith.addi %parallel_loop3A_593, %parallel_loop3A_632 : vector<16xi32>
          %parallel_loop3A_634 = tpu.vector_load_idx %arg5[%add3A_46, %and3A_37, %parallel_loop3A_633] : memref<2x8x4104xf32, #tpu.memory_space<vmem>>[vector<16xi32>, vector<16xi32>, vector<16xi32>], vector<16xf32>,
          %parallel_loop3A_635 = arith.constant 2 : i32
          %parallel_loop3A_636 = vector.broadcast %parallel_loop3A_635 : i32 to vector<16xi32>
          %parallel_loop3A_637 = arith.addi %parallel_loop3A_593, %parallel_loop3A_636 : vector<16xi32>
          %parallel_loop3A_638 = tpu.vector_load_idx %arg5[%broadcast_in_dim3A_43, %and3A_37, %parallel_loop3A_637] : memref<2x8x4104xf32, #tpu.memory_space<vmem>>[vector<16xi32>, vector<16xi32>, vector<16xi32>], vector<16xf32>,
          %parallel_loop3A_639 = arith.constant 2 : i32
          %parallel_loop3A_640 = vector.broadcast %parallel_loop3A_639 : i32 to vector<16xi32>
          %parallel_loop3A_641 = arith.addi %parallel_loop3A_593, %parallel_loop3A_640 : vector<16xi32>
          %parallel_loop3A_642 = tpu.vector_load_idx %arg5[%add3A_46, %and3A_37, %parallel_loop3A_641] : memref<2x8x4104xf32, #tpu.memory_space<vmem>>[vector<16xi32>, vector<16xi32>, vector<16xi32>], vector<16xf32>,
          %parallel_loop3A_643 = arith.constant 3 : i32
          %parallel_loop3A_644 = vector.broadcast %parallel_loop3A_643 : i32 to vector<16xi32>
          %parallel_loop3A_645 = arith.addi %parallel_loop3A_593, %parallel_loop3A_644 : vector<16xi32>
          %parallel_loop3A_646 = tpu.vector_load_idx %arg5[%broadcast_in_dim3A_43, %and3A_37, %parallel_loop3A_645] : memref<2x8x4104xf32, #tpu.memory_space<vmem>>[vector<16xi32>, vector<16xi32>, vector<16xi32>], vector<16xf32>,
          %parallel_loop3A_647 = arith.constant 3 : i32
          %parallel_loop3A_648 = vector.broadcast %parallel_loop3A_647 : i32 to vector<16xi32>
          %parallel_loop3A_649 = arith.addi %parallel_loop3A_593, %parallel_loop3A_648 : vector<16xi32>
          %parallel_loop3A_650 = tpu.vector_load_idx %arg5[%add3A_46, %and3A_37, %parallel_loop3A_649] : memref<2x8x4104xf32, #tpu.memory_space<vmem>>[vector<16xi32>, vector<16xi32>, vector<16xi32>], vector<16xf32>,
          %parallel_loop3A_651 = arith.mulf %parallel_loop3A_605, %parallel_loop3A_625 : vector<16xf32>
          %parallel_loop3A_652 = arith.mulf %parallel_loop3A_619, %parallel_loop3A_630 : vector<16xf32>
          %parallel_loop3A_653 = arith.addf %parallel_loop3A_651, %parallel_loop3A_652 : vector<16xf32>
          %parallel_loop3A_654 = arith.mulf %parallel_loop3A_624, %parallel_loop3A_638 : vector<16xf32>
          %parallel_loop3A_655 = arith.addf %parallel_loop3A_653, %parallel_loop3A_654 : vector<16xf32>
          %parallel_loop3A_656 = arith.mulf %parallel_loop3A_609, %parallel_loop3A_646 : vector<16xf32>
          %parallel_loop3A_657 = arith.addf %parallel_loop3A_655, %parallel_loop3A_656 : vector<16xf32>
          %parallel_loop3A_658 = arith.mulf %parallel_loop3A_605, %parallel_loop3A_626 : vector<16xf32>
          %parallel_loop3A_659 = arith.mulf %parallel_loop3A_619, %parallel_loop3A_634 : vector<16xf32>
          %parallel_loop3A_660 = arith.addf %parallel_loop3A_658, %parallel_loop3A_659 : vector<16xf32>
          %parallel_loop3A_661 = arith.mulf %parallel_loop3A_624, %parallel_loop3A_642 : vector<16xf32>
          %parallel_loop3A_662 = arith.addf %parallel_loop3A_660, %parallel_loop3A_661 : vector<16xf32>
          %parallel_loop3A_663 = arith.mulf %parallel_loop3A_609, %parallel_loop3A_650 : vector<16xf32>
          %parallel_loop3A_664 = arith.addf %parallel_loop3A_662, %parallel_loop3A_663 : vector<16xf32>
          %parallel_loop3A_665 = arith.addi %mul3A_577, %parallel_loop3A_580 : i32
          %parallel_loop3A_666 = arith.constant 1 : i32
          %parallel_loop3A_667 = arith.shrsi %parallel_loop3A_665, %parallel_loop3A_666 : i32
          %parallel_loop3A_668 = vector.broadcast %parallel_loop3A_667 : i32 to vector<16xi32>
          %parallel_loop3A_669 = arith.addi %broadcast_in_dim3A_43, %parallel_loop3A_668 : vector<16xi32>
          %parallel_loop3A_670 = arith.constant 1 : i32
          %parallel_loop3A_671 = arith.constant 0 : i32
          %parallel_loop3A_672 = arith.constant 0 : i32
          %parallel_loop3A_673 = arith.constant 0 : i32
          %parallel_loop3A_674 = tpu.memref_slice %arg7[%parallel_loop3A_670, %parallel_loop3A_671, %parallel_loop3A_672, %parallel_loop3A_673] : memref<2x2x512x16xf32, #tpu.memory_space<vmem>> -> memref<1x2x512x16xf32, #tpu.memory_space<vmem>>
          %parallel_loop3A_675 = tpu.memref_squeeze %parallel_loop3A_674 : memref<1x2x512x16xf32, #tpu.memory_space<vmem>> -> memref<2x512x16xf32, #tpu.memory_space<vmem>>
          tpu.vector_store_idx %parallel_loop3A_675[%shift_right_arithmetic3A_39, %parallel_loop3A_669, %mul3A_42], %parallel_loop3A_657 : memref<2x512x16xf32, #tpu.memory_space<vmem>>[vector<16xi32>, vector<16xi32>, vector<16xi32>], vector<16xf32>,
          %parallel_loop3A_676 = arith.constant 1 : i32
          %parallel_loop3A_677 = vector.broadcast %parallel_loop3A_676 : i32 to vector<16xi32>
          %parallel_loop3A_678 = arith.addi %mul3A_42, %parallel_loop3A_677 : vector<16xi32>
          %parallel_loop3A_679 = arith.constant 1 : i32
          %parallel_loop3A_680 = arith.constant 0 : i32
          %parallel_loop3A_681 = arith.constant 0 : i32
          %parallel_loop3A_682 = arith.constant 0 : i32
          %parallel_loop3A_683 = tpu.memref_slice %arg7[%parallel_loop3A_679, %parallel_loop3A_680, %parallel_loop3A_681, %parallel_loop3A_682] : memref<2x2x512x16xf32, #tpu.memory_space<vmem>> -> memref<1x2x512x16xf32, #tpu.memory_space<vmem>>
          %parallel_loop3A_684 = tpu.memref_squeeze %parallel_loop3A_683 : memref<1x2x512x16xf32, #tpu.memory_space<vmem>> -> memref<2x512x16xf32, #tpu.memory_space<vmem>>
          tpu.vector_store_idx %parallel_loop3A_684[%shift_right_arithmetic3A_39, %parallel_loop3A_669, %parallel_loop3A_678], %parallel_loop3A_664 : memref<2x512x16xf32, #tpu.memory_space<vmem>>[vector<16xi32>, vector<16xi32>, vector<16xi32>], vector<16xf32>,
        } {sc.loop_unroll_factor = 4 : i64, sc.parallel_access}
      }
      %scan3A_465 = arith.constant 8 : i32
      %mul3A_466 = arith.constant 1024 : i32
      %mul3A_467 = arith.muli %add3A_430, %mul3A_466 : i32
      %add3A_468 = arith.addi %mul3A_32, %mul3A_467 : i32
      %jit3A_469 = arith.constant 2 : i32
      %div3A_470 = arith.divsi %add3A_468, %jit3A_469 : i32
      %sign3A_471 = arith.constant 0 : i32
      %sign3A_472 = arith.cmpi sgt, %add3A_468, %sign3A_471 : i32
      %sign3A_473 = arith.extui %sign3A_472 : i1 to i32
      %sign3A_474 = arith.constant 0 : i32
      %sign3A_475 = arith.cmpi slt, %add3A_468, %sign3A_474 : i32
      %sign3A_476 = arith.extui %sign3A_475 : i1 to i32
      %sign3A_477 = arith.subi %sign3A_473, %sign3A_476 : i32
      %sign3A_478 = arith.constant 0 : i32
      %sign3A_479 = arith.cmpi sgt, %jit3A_469, %sign3A_478 : i32
      %sign3A_480 = arith.extui %sign3A_479 : i1 to i32
      %sign3A_481 = arith.constant 0 : i32
      %sign3A_482 = arith.cmpi slt, %jit3A_469, %sign3A_481 : i32
      %sign3A_483 = arith.extui %sign3A_482 : i1 to i32
      %sign3A_484 = arith.subi %sign3A_480, %sign3A_483 : i32
      %ne3A_485 = arith.cmpi ne, %sign3A_477, %sign3A_484 : i32
      %rem3A_486 = arith.remsi %add3A_468, %jit3A_469 : i32
      %ne3A_487 = arith.constant 0 : i32
      %ne3A_488 = arith.cmpi ne, %rem3A_486, %ne3A_487 : i32
      %and3A_489 = arith.andi %ne3A_485, %ne3A_488 : i1
      %sub3A_490 = arith.constant 1 : i32
      %sub3A_491 = arith.subi %div3A_470, %sub3A_490 : i32
      %select_n3A_492 = arith.select %and3A_489, %sub3A_491, %div3A_470 : i32
      %mul3A_493 = arith.constant 8 : i32
      %mul3A_494 = arith.muli %select_n3A_9, %mul3A_493 : i32
      %mul3A_495 = arith.constant 2 : i32
      %mul3A_496 = arith.muli %mul3A_494, %mul3A_495 : i32
      %add3A_497 = arith.constant 0 : i32
      %add3A_498 = arith.addi %add3A_497, %mul3A_496 : i32
      %dma_start3A_499 = arith.constant 1 : i32
      %dma_start3A_500 = arith.constant 0 : i32
      %dma_start3A_501 = arith.constant 1 : i32
      %dma_start3A_502 = arith.constant 0 : i32
      %dma_start3A_503 = arith.constant 0 : i32
      %dma_start3A_504 = tpu.memref_slice %arg7[%dma_start3A_499, %dma_start3A_500, %dma_start3A_502, %dma_start3A_503] : memref<2x2x512x16xf32, #tpu.memory_space<vmem>> -> memref<1x1x512x16xf32, #tpu.memory_space<vmem>>
      %dma_start3A_505 = tpu.memref_squeeze %dma_start3A_504 : memref<1x1x512x16xf32, #tpu.memory_space<vmem>> -> memref<512x16xf32, #tpu.memory_space<vmem>>
      %dma_start3A_506 = tpu.memref_slice %arg4[%select_n3A_492, %add3A_498] : memref<65536x128xf32, #tpu.memory_space<hbm>> -> memref<512x16xf32, #tpu.memory_space<hbm>>
      %dma_start3A_507 = tpu.memref_slice %arg9[%dma_start3A_501] : memref<2x!tpu.dma_semaphore, #tpu.memory_space<semaphore_mem>> -> memref<1x!tpu.dma_semaphore, #tpu.memory_space<semaphore_mem>>
      %dma_start3A_508 = tpu.memref_squeeze %dma_start3A_507 : memref<1x!tpu.dma_semaphore, #tpu.memory_space<semaphore_mem>> -> memref<!tpu.dma_semaphore, #tpu.memory_space<semaphore_mem>>
      %dma_start3A_509 = tpu.memref_slice %arg4[%select_n3A_492, %add3A_498] : memref<65536x128xf32, #tpu.memory_space<hbm>> -> memref<512x16xf32, #tpu.memory_space<hbm>>
      %dma_start3A_510 = arith.constant 0 : i32
      %dma_start3A_511 = arith.constant 0 : i32
      %dma_start3A_512 = tpu.memref_slice %arg7[%dma_start3A_499, %dma_start3A_500, %dma_start3A_510, %dma_start3A_511] : memref<2x2x512x16xf32, #tpu.memory_space<vmem>> -> memref<1x1x512x16xf32, #tpu.memory_space<vmem>>
      %dma_start3A_513 = tpu.memref_squeeze %dma_start3A_512 : memref<1x1x512x16xf32, #tpu.memory_space<vmem>> -> memref<512x16xf32, #tpu.memory_space<vmem>>
      tpu.enqueue_dma source(%dma_start3A_513 : memref<512x16xf32, #tpu.memory_space<vmem>>) target(%dma_start3A_509 : memref<512x16xf32, #tpu.memory_space<hbm>>) target_semaphore(%dma_start3A_508 : memref<!tpu.dma_semaphore, #tpu.memory_space<semaphore_mem>>)
      %mul3A_514 = arith.constant 1024 : i32
      %mul3A_515 = arith.muli %add3A_430, %mul3A_514 : i32
      %add3A_516 = arith.addi %mul3A_32, %mul3A_515 : i32
      %jit3A_517 = arith.constant 2 : i32
      %div3A_518 = arith.divsi %add3A_516, %jit3A_517 : i32
      %sign3A_519 = arith.constant 0 : i32
      %sign3A_520 = arith.cmpi sgt, %add3A_516, %sign3A_519 : i32
      %sign3A_521 = arith.extui %sign3A_520 : i1 to i32
      %sign3A_522 = arith.constant 0 : i32
      %sign3A_523 = arith.cmpi slt, %add3A_516, %sign3A_522 : i32
      %sign3A_524 = arith.extui %sign3A_523 : i1 to i32
      %sign3A_525 = arith.subi %sign3A_521, %sign3A_524 : i32
      %sign3A_526 = arith.constant 0 : i32
      %sign3A_527 = arith.cmpi sgt, %jit3A_517, %sign3A_526 : i32
      %sign3A_528 = arith.extui %sign3A_527 : i1 to i32
      %sign3A_529 = arith.constant 0 : i32
      %sign3A_530 = arith.cmpi slt, %jit3A_517, %sign3A_529 : i32
      %sign3A_531 = arith.extui %sign3A_530 : i1 to i32
      %sign3A_532 = arith.subi %sign3A_528, %sign3A_531 : i32
      %ne3A_533 = arith.cmpi ne, %sign3A_525, %sign3A_532 : i32
      %rem3A_534 = arith.remsi %add3A_516, %jit3A_517 : i32
      %ne3A_535 = arith.constant 0 : i32
      %ne3A_536 = arith.cmpi ne, %rem3A_534, %ne3A_535 : i32
      %and3A_537 = arith.andi %ne3A_533, %ne3A_536 : i1
      %sub3A_538 = arith.constant 1 : i32
      %sub3A_539 = arith.subi %div3A_518, %sub3A_538 : i32
      %select_n3A_540 = arith.select %and3A_537, %sub3A_539, %div3A_518 : i32
      %mul3A_541 = arith.constant 8 : i32
      %mul3A_542 = arith.muli %select_n3A_9, %mul3A_541 : i32
      %mul3A_543 = arith.constant 2 : i32
      %mul3A_544 = arith.muli %mul3A_542, %mul3A_543 : i32
      %add3A_545 = arith.constant 64 : i32
      %add3A_546 = arith.addi %add3A_545, %mul3A_544 : i32
      %dma_start3A_547 = arith.constant 1 : i32
      %dma_start3A_548 = arith.constant 1 : i32
      %dma_start3A_549 = arith.constant 1 : i32
      %dma_start3A_550 = arith.constant 0 : i32
      %dma_start3A_551 = arith.constant 0 : i32
      %dma_start3A_552 = tpu.memref_slice %arg7[%dma_start3A_547, %dma_start3A_548, %dma_start3A_550, %dma_start3A_551] : memref<2x2x512x16xf32, #tpu.memory_space<vmem>> -> memref<1x1x512x16xf32, #tpu.memory_space<vmem>>
      %dma_start3A_553 = tpu.memref_squeeze %dma_start3A_552 : memref<1x1x512x16xf32, #tpu.memory_space<vmem>> -> memref<512x16xf32, #tpu.memory_space<vmem>>
      %dma_start3A_554 = tpu.memref_slice %arg4[%select_n3A_540, %add3A_546] : memref<65536x128xf32, #tpu.memory_space<hbm>> -> memref<512x16xf32, #tpu.memory_space<hbm>>
      %dma_start3A_555 = tpu.memref_slice %arg9[%dma_start3A_549] : memref<2x!tpu.dma_semaphore, #tpu.memory_space<semaphore_mem>> -> memref<1x!tpu.dma_semaphore, #tpu.memory_space<semaphore_mem>>
      %dma_start3A_556 = tpu.memref_squeeze %dma_start3A_555 : memref<1x!tpu.dma_semaphore, #tpu.memory_space<semaphore_mem>> -> memref<!tpu.dma_semaphore, #tpu.memory_space<semaphore_mem>>
      %dma_start3A_557 = tpu.memref_slice %arg4[%select_n3A_540, %add3A_546] : memref<65536x128xf32, #tpu.memory_space<hbm>> -> memref<512x16xf32, #tpu.memory_space<hbm>>
      %dma_start3A_558 = arith.constant 0 : i32
      %dma_start3A_559 = arith.constant 0 : i32
      %dma_start3A_560 = tpu.memref_slice %arg7[%dma_start3A_547, %dma_start3A_548, %dma_start3A_558, %dma_start3A_559] : memref<2x2x512x16xf32, #tpu.memory_space<vmem>> -> memref<1x1x512x16xf32, #tpu.memory_space<vmem>>
      %dma_start3A_561 = tpu.memref_squeeze %dma_start3A_560 : memref<1x1x512x16xf32, #tpu.memory_space<vmem>> -> memref<512x16xf32, #tpu.memory_space<vmem>>
      tpu.enqueue_dma source(%dma_start3A_561 : memref<512x16xf32, #tpu.memory_space<vmem>>) target(%dma_start3A_557 : memref<512x16xf32, #tpu.memory_space<hbm>>) target_semaphore(%dma_start3A_556 : memref<!tpu.dma_semaphore, #tpu.memory_space<semaphore_mem>>)
      %add3A_562 = arith.constant 2 : i32
      %add3A_563 = arith.addi %add3A_430, %add3A_562 : i32
      %lt3A_564 = arith.constant 16 : i32
      %lt3A_565 = arith.cmpi slt, %add3A_563, %lt3A_564 : i32
      %convert_element_type3A_566 = arith.extui %lt3A_565 : i1 to i32
      %cond3A_567 = arith.constant 0 : i32
      %cond3A_568 = arith.cmpi ne, %convert_element_type3A_566, %cond3A_567 : i32
      scf.if %cond3A_568 {
        %add3A_569 = arith.constant 2 : i32
        %add3A_570 = arith.addi %add3A_430, %add3A_569 : i32
        %mul3A_571 = arith.constant 8 : i32
        %mul3A_572 = arith.muli %add3A_570, %mul3A_571 : i32
        %add3A_573 = arith.addi %mul3A_48, %mul3A_572 : i32
        %dma_start3A_574 = arith.constant 1 : i32
        %dma_start3A_575 = arith.constant 1 : i32
        %dma_start3A_576 = arith.constant 0 : i32
        %dma_start3A_577 = arith.constant 0 : i32
        %dma_start3A_578 = arith.constant 0 : i32
        %dma_start3A_579 = tpu.memref_slice %arg6[%dma_start3A_574, %dma_start3A_576, %dma_start3A_577, %dma_start3A_578] : memref<2x8x8x128xf32, #tpu.memory_space<vmem>> -> memref<1x8x8x128xf32, #tpu.memory_space<vmem>>
        %dma_start3A_580 = tpu.memref_squeeze %dma_start3A_579 : memref<1x8x8x128xf32, #tpu.memory_space<vmem>> -> memref<8x8x128xf32, #tpu.memory_space<vmem>>
        %dma_start3A_581 = arith.constant 0 : i32
        %dma_start3A_582 = arith.constant 0 : i32
        %dma_start3A_583 = tpu.memref_slice %arg2[%select_n3A_9, %add3A_573, %dma_start3A_581, %dma_start3A_582] : memref<4x1024x8x128xf32, #tpu.memory_space<hbm>> -> memref<1x8x8x128xf32, #tpu.memory_space<hbm>>
        %dma_start3A_584 = tpu.memref_squeeze %dma_start3A_583 : memref<1x8x8x128xf32, #tpu.memory_space<hbm>> -> memref<8x8x128xf32, #tpu.memory_space<hbm>>
        %dma_start3A_585 = tpu.memref_slice %arg8[%dma_start3A_575] : memref<2x!tpu.dma_semaphore, #tpu.memory_space<semaphore_mem>> -> memref<1x!tpu.dma_semaphore, #tpu.memory_space<semaphore_mem>>
        %dma_start3A_586 = tpu.memref_squeeze %dma_start3A_585 : memref<1x!tpu.dma_semaphore, #tpu.memory_space<semaphore_mem>> -> memref<!tpu.dma_semaphore, #tpu.memory_space<semaphore_mem>>
        %dma_start3A_587 = arith.constant 0 : i32
        %dma_start3A_588 = arith.constant 0 : i32
        %dma_start3A_589 = arith.constant 0 : i32
        %dma_start3A_590 = tpu.memref_slice %arg6[%dma_start3A_574, %dma_start3A_587, %dma_start3A_588, %dma_start3A_589] : memref<2x8x8x128xf32, #tpu.memory_space<vmem>> -> memref<1x8x8x128xf32, #tpu.memory_space<vmem>>
        %dma_start3A_591 = tpu.memref_squeeze %dma_start3A_590 : memref<1x8x8x128xf32, #tpu.memory_space<vmem>> -> memref<8x8x128xf32, #tpu.memory_space<vmem>>
        %dma_start3A_592 = arith.constant 0 : i32
        %dma_start3A_593 = arith.constant 0 : i32
        %dma_start3A_594 = tpu.memref_slice %arg2[%select_n3A_9, %add3A_573, %dma_start3A_592, %dma_start3A_593] : memref<4x1024x8x128xf32, #tpu.memory_space<hbm>> -> memref<1x8x8x128xf32, #tpu.memory_space<hbm>>
        %dma_start3A_595 = tpu.memref_squeeze %dma_start3A_594 : memref<1x8x8x128xf32, #tpu.memory_space<hbm>> -> memref<8x8x128xf32, #tpu.memory_space<hbm>>
        tpu.enqueue_dma source(%dma_start3A_595 : memref<8x8x128xf32, #tpu.memory_space<hbm>>) target(%dma_start3A_591 : memref<8x8x128xf32, #tpu.memory_space<vmem>>) target_semaphore(%dma_start3A_586 : memref<!tpu.dma_semaphore, #tpu.memory_space<semaphore_mem>>)
      } else {
      }
    }
    %scan3A_99 = arith.constant 8 : i32
    %add3A_100 = arith.constant 14336 : i32
    %add3A_101 = arith.addi %mul3A_32, %add3A_100 : i32
    %jit3A_102 = arith.constant 2 : i32
    %div3A_103 = arith.divsi %add3A_101, %jit3A_102 : i32
    %sign3A_104 = arith.constant 0 : i32
    %sign3A_105 = arith.cmpi sgt, %add3A_101, %sign3A_104 : i32
    %sign3A_106 = arith.extui %sign3A_105 : i1 to i32
    %sign3A_107 = arith.constant 0 : i32
    %sign3A_108 = arith.cmpi slt, %add3A_101, %sign3A_107 : i32
    %sign3A_109 = arith.extui %sign3A_108 : i1 to i32
    %sign3A_110 = arith.subi %sign3A_106, %sign3A_109 : i32
    %sign3A_111 = arith.constant 0 : i32
    %sign3A_112 = arith.cmpi sgt, %jit3A_102, %sign3A_111 : i32
    %sign3A_113 = arith.extui %sign3A_112 : i1 to i32
    %sign3A_114 = arith.constant 0 : i32
    %sign3A_115 = arith.cmpi slt, %jit3A_102, %sign3A_114 : i32
    %sign3A_116 = arith.extui %sign3A_115 : i1 to i32
    %sign3A_117 = arith.subi %sign3A_113, %sign3A_116 : i32
    %ne3A_118 = arith.cmpi ne, %sign3A_110, %sign3A_117 : i32
    %rem3A_119 = arith.remsi %add3A_101, %jit3A_102 : i32
    %ne3A_120 = arith.constant 0 : i32
    %ne3A_121 = arith.cmpi ne, %rem3A_119, %ne3A_120 : i32
    %and3A_122 = arith.andi %ne3A_118, %ne3A_121 : i1
    %sub3A_123 = arith.constant 1 : i32
    %sub3A_124 = arith.subi %div3A_103, %sub3A_123 : i32
    %select_n3A_125 = arith.select %and3A_122, %sub3A_124, %div3A_103 : i32
    %mul3A_126 = arith.constant 8 : i32
    %mul3A_127 = arith.muli %select_n3A_9, %mul3A_126 : i32
    %mul3A_128 = arith.constant 2 : i32
    %mul3A_129 = arith.muli %mul3A_127, %mul3A_128 : i32
    %add3A_130 = arith.constant 0 : i32
    %add3A_131 = arith.addi %add3A_130, %mul3A_129 : i32
    %dma_wait3A = arith.constant 0 : i32
    %dma_wait3A_132 = arith.constant 0 : i32
    %dma_wait3A_133 = arith.constant 0 : i32
    %dma_wait3A_134 = arith.constant 0 : i32
    %dma_wait3A_135 = arith.constant 0 : i32
    %dma_wait3A_136 = tpu.memref_slice %arg7[%dma_wait3A, %dma_wait3A_132, %dma_wait3A_134, %dma_wait3A_135] : memref<2x2x512x16xf32, #tpu.memory_space<vmem>> -> memref<1x1x512x16xf32, #tpu.memory_space<vmem>>
    %dma_wait3A_137 = tpu.memref_squeeze %dma_wait3A_136 : memref<1x1x512x16xf32, #tpu.memory_space<vmem>> -> memref<512x16xf32, #tpu.memory_space<vmem>>
    %dma_wait3A_138 = tpu.memref_slice %arg4[%select_n3A_125, %add3A_131] : memref<65536x128xf32, #tpu.memory_space<hbm>> -> memref<512x16xf32, #tpu.memory_space<hbm>>
    %dma_wait3A_139 = tpu.memref_slice %arg9[%dma_wait3A_133] : memref<2x!tpu.dma_semaphore, #tpu.memory_space<semaphore_mem>> -> memref<1x!tpu.dma_semaphore, #tpu.memory_space<semaphore_mem>>
    %dma_wait3A_140 = tpu.memref_squeeze %dma_wait3A_139 : memref<1x!tpu.dma_semaphore, #tpu.memory_space<semaphore_mem>> -> memref<!tpu.dma_semaphore, #tpu.memory_space<semaphore_mem>>
    %dma_wait3A_141 = tpu.memref_slice %arg4[%select_n3A_125, %add3A_131] : memref<65536x128xf32, #tpu.memory_space<hbm>> -> memref<512x16xf32, #tpu.memory_space<hbm>>
    %dma_wait3A_142 = arith.constant 0 : i32
    %dma_wait3A_143 = arith.constant 0 : i32
    %dma_wait3A_144 = tpu.memref_slice %arg7[%dma_wait3A, %dma_wait3A_132, %dma_wait3A_142, %dma_wait3A_143] : memref<2x2x512x16xf32, #tpu.memory_space<vmem>> -> memref<1x1x512x16xf32, #tpu.memory_space<vmem>>
    %dma_wait3A_145 = tpu.memref_squeeze %dma_wait3A_144 : memref<1x1x512x16xf32, #tpu.memory_space<vmem>> -> memref<512x16xf32, #tpu.memory_space<vmem>>
    tpu.wait_dma2 semaphore(%dma_wait3A_140 : memref<!tpu.dma_semaphore, #tpu.memory_space<semaphore_mem>>) src(%dma_wait3A_145 : memref<512x16xf32, #tpu.memory_space<vmem>>) dst(%dma_wait3A_141 : memref<512x16xf32, #tpu.memory_space<hbm>>)
    %add3A_146 = arith.constant 14336 : i32
    %add3A_147 = arith.addi %mul3A_32, %add3A_146 : i32
    %jit3A_148 = arith.constant 2 : i32
    %div3A_149 = arith.divsi %add3A_147, %jit3A_148 : i32
    %sign3A_150 = arith.constant 0 : i32
    %sign3A_151 = arith.cmpi sgt, %add3A_147, %sign3A_150 : i32
    %sign3A_152 = arith.extui %sign3A_151 : i1 to i32
    %sign3A_153 = arith.constant 0 : i32
    %sign3A_154 = arith.cmpi slt, %add3A_147, %sign3A_153 : i32
    %sign3A_155 = arith.extui %sign3A_154 : i1 to i32
    %sign3A_156 = arith.subi %sign3A_152, %sign3A_155 : i32
    %sign3A_157 = arith.constant 0 : i32
    %sign3A_158 = arith.cmpi sgt, %jit3A_148, %sign3A_157 : i32
    %sign3A_159 = arith.extui %sign3A_158 : i1 to i32
    %sign3A_160 = arith.constant 0 : i32
    %sign3A_161 = arith.cmpi slt, %jit3A_148, %sign3A_160 : i32
    %sign3A_162 = arith.extui %sign3A_161 : i1 to i32
    %sign3A_163 = arith.subi %sign3A_159, %sign3A_162 : i32
    %ne3A_164 = arith.cmpi ne, %sign3A_156, %sign3A_163 : i32
    %rem3A_165 = arith.remsi %add3A_147, %jit3A_148 : i32
    %ne3A_166 = arith.constant 0 : i32
    %ne3A_167 = arith.cmpi ne, %rem3A_165, %ne3A_166 : i32
    %and3A_168 = arith.andi %ne3A_164, %ne3A_167 : i1
    %sub3A_169 = arith.constant 1 : i32
    %sub3A_170 = arith.subi %div3A_149, %sub3A_169 : i32
    %select_n3A_171 = arith.select %and3A_168, %sub3A_170, %div3A_149 : i32
    %mul3A_172 = arith.constant 8 : i32
    %mul3A_173 = arith.muli %select_n3A_9, %mul3A_172 : i32
    %mul3A_174 = arith.constant 2 : i32
    %mul3A_175 = arith.muli %mul3A_173, %mul3A_174 : i32
    %add3A_176 = arith.constant 64 : i32
    %add3A_177 = arith.addi %add3A_176, %mul3A_175 : i32
    %dma_wait3A_178 = arith.constant 0 : i32
    %dma_wait3A_179 = arith.constant 1 : i32
    %dma_wait3A_180 = arith.constant 0 : i32
    %dma_wait3A_181 = arith.constant 0 : i32
    %dma_wait3A_182 = arith.constant 0 : i32
    %dma_wait3A_183 = tpu.memref_slice %arg7[%dma_wait3A_178, %dma_wait3A_179, %dma_wait3A_181, %dma_wait3A_182] : memref<2x2x512x16xf32, #tpu.memory_space<vmem>> -> memref<1x1x512x16xf32, #tpu.memory_space<vmem>>
    %dma_wait3A_184 = tpu.memref_squeeze %dma_wait3A_183 : memref<1x1x512x16xf32, #tpu.memory_space<vmem>> -> memref<512x16xf32, #tpu.memory_space<vmem>>
    %dma_wait3A_185 = tpu.memref_slice %arg4[%select_n3A_171, %add3A_177] : memref<65536x128xf32, #tpu.memory_space<hbm>> -> memref<512x16xf32, #tpu.memory_space<hbm>>
    %dma_wait3A_186 = tpu.memref_slice %arg9[%dma_wait3A_180] : memref<2x!tpu.dma_semaphore, #tpu.memory_space<semaphore_mem>> -> memref<1x!tpu.dma_semaphore, #tpu.memory_space<semaphore_mem>>
    %dma_wait3A_187 = tpu.memref_squeeze %dma_wait3A_186 : memref<1x!tpu.dma_semaphore, #tpu.memory_space<semaphore_mem>> -> memref<!tpu.dma_semaphore, #tpu.memory_space<semaphore_mem>>
    %dma_wait3A_188 = tpu.memref_slice %arg4[%select_n3A_171, %add3A_177] : memref<65536x128xf32, #tpu.memory_space<hbm>> -> memref<512x16xf32, #tpu.memory_space<hbm>>
    %dma_wait3A_189 = arith.constant 0 : i32
    %dma_wait3A_190 = arith.constant 0 : i32
    %dma_wait3A_191 = tpu.memref_slice %arg7[%dma_wait3A_178, %dma_wait3A_179, %dma_wait3A_189, %dma_wait3A_190] : memref<2x2x512x16xf32, #tpu.memory_space<vmem>> -> memref<1x1x512x16xf32, #tpu.memory_space<vmem>>
    %dma_wait3A_192 = tpu.memref_squeeze %dma_wait3A_191 : memref<1x1x512x16xf32, #tpu.memory_space<vmem>> -> memref<512x16xf32, #tpu.memory_space<vmem>>
    tpu.wait_dma2 semaphore(%dma_wait3A_187 : memref<!tpu.dma_semaphore, #tpu.memory_space<semaphore_mem>>) src(%dma_wait3A_192 : memref<512x16xf32, #tpu.memory_space<vmem>>) dst(%dma_wait3A_188 : memref<512x16xf32, #tpu.memory_space<hbm>>)
    %add3A_193 = arith.constant 15360 : i32
    %add3A_194 = arith.addi %mul3A_32, %add3A_193 : i32
    %jit3A_195 = arith.constant 2 : i32
    %div3A_196 = arith.divsi %add3A_194, %jit3A_195 : i32
    %sign3A_197 = arith.constant 0 : i32
    %sign3A_198 = arith.cmpi sgt, %add3A_194, %sign3A_197 : i32
    %sign3A_199 = arith.extui %sign3A_198 : i1 to i32
    %sign3A_200 = arith.constant 0 : i32
    %sign3A_201 = arith.cmpi slt, %add3A_194, %sign3A_200 : i32
    %sign3A_202 = arith.extui %sign3A_201 : i1 to i32
    %sign3A_203 = arith.subi %sign3A_199, %sign3A_202 : i32
    %sign3A_204 = arith.constant 0 : i32
    %sign3A_205 = arith.cmpi sgt, %jit3A_195, %sign3A_204 : i32
    %sign3A_206 = arith.extui %sign3A_205 : i1 to i32
    %sign3A_207 = arith.constant 0 : i32
    %sign3A_208 = arith.cmpi slt, %jit3A_195, %sign3A_207 : i32
    %sign3A_209 = arith.extui %sign3A_208 : i1 to i32
    %sign3A_210 = arith.subi %sign3A_206, %sign3A_209 : i32
    %ne3A_211 = arith.cmpi ne, %sign3A_203, %sign3A_210 : i32
    %rem3A_212 = arith.remsi %add3A_194, %jit3A_195 : i32
    %ne3A_213 = arith.constant 0 : i32
    %ne3A_214 = arith.cmpi ne, %rem3A_212, %ne3A_213 : i32
    %and3A_215 = arith.andi %ne3A_211, %ne3A_214 : i1
    %sub3A_216 = arith.constant 1 : i32
    %sub3A_217 = arith.subi %div3A_196, %sub3A_216 : i32
    %select_n3A_218 = arith.select %and3A_215, %sub3A_217, %div3A_196 : i32
    %mul3A_219 = arith.constant 8 : i32
    %mul3A_220 = arith.muli %select_n3A_9, %mul3A_219 : i32
    %mul3A_221 = arith.constant 2 : i32
    %mul3A_222 = arith.muli %mul3A_220, %mul3A_221 : i32
    %add3A_223 = arith.constant 0 : i32
    %add3A_224 = arith.addi %add3A_223, %mul3A_222 : i32
    %dma_wait3A_225 = arith.constant 1 : i32
    %dma_wait3A_226 = arith.constant 0 : i32
    %dma_wait3A_227 = arith.constant 1 : i32
    %dma_wait3A_228 = arith.constant 0 : i32
    %dma_wait3A_229 = arith.constant 0 : i32
    %dma_wait3A_230 = tpu.memref_slice %arg7[%dma_wait3A_225, %dma_wait3A_226, %dma_wait3A_228, %dma_wait3A_229] : memref<2x2x512x16xf32, #tpu.memory_space<vmem>> -> memref<1x1x512x16xf32, #tpu.memory_space<vmem>>
    %dma_wait3A_231 = tpu.memref_squeeze %dma_wait3A_230 : memref<1x1x512x16xf32, #tpu.memory_space<vmem>> -> memref<512x16xf32, #tpu.memory_space<vmem>>
    %dma_wait3A_232 = tpu.memref_slice %arg4[%select_n3A_218, %add3A_224] : memref<65536x128xf32, #tpu.memory_space<hbm>> -> memref<512x16xf32, #tpu.memory_space<hbm>>
    %dma_wait3A_233 = tpu.memref_slice %arg9[%dma_wait3A_227] : memref<2x!tpu.dma_semaphore, #tpu.memory_space<semaphore_mem>> -> memref<1x!tpu.dma_semaphore, #tpu.memory_space<semaphore_mem>>
    %dma_wait3A_234 = tpu.memref_squeeze %dma_wait3A_233 : memref<1x!tpu.dma_semaphore, #tpu.memory_space<semaphore_mem>> -> memref<!tpu.dma_semaphore, #tpu.memory_space<semaphore_mem>>
    %dma_wait3A_235 = tpu.memref_slice %arg4[%select_n3A_218, %add3A_224] : memref<65536x128xf32, #tpu.memory_space<hbm>> -> memref<512x16xf32, #tpu.memory_space<hbm>>
    %dma_wait3A_236 = arith.constant 0 : i32
    %dma_wait3A_237 = arith.constant 0 : i32
    %dma_wait3A_238 = tpu.memref_slice %arg7[%dma_wait3A_225, %dma_wait3A_226, %dma_wait3A_236, %dma_wait3A_237] : memref<2x2x512x16xf32, #tpu.memory_space<vmem>> -> memref<1x1x512x16xf32, #tpu.memory_space<vmem>>
    %dma_wait3A_239 = tpu.memref_squeeze %dma_wait3A_238 : memref<1x1x512x16xf32, #tpu.memory_space<vmem>> -> memref<512x16xf32, #tpu.memory_space<vmem>>
    tpu.wait_dma2 semaphore(%dma_wait3A_234 : memref<!tpu.dma_semaphore, #tpu.memory_space<semaphore_mem>>) src(%dma_wait3A_239 : memref<512x16xf32, #tpu.memory_space<vmem>>) dst(%dma_wait3A_235 : memref<512x16xf32, #tpu.memory_space<hbm>>)
    %add3A_240 = arith.constant 15360 : i32
    %add3A_241 = arith.addi %mul3A_32, %add3A_240 : i32
    %jit3A_242 = arith.constant 2 : i32
    %div3A_243 = arith.divsi %add3A_241, %jit3A_242 : i32
    %sign3A_244 = arith.constant 0 : i32
    %sign3A_245 = arith.cmpi sgt, %add3A_241, %sign3A_244 : i32
    %sign3A_246 = arith.extui %sign3A_245 : i1 to i32
    %sign3A_247 = arith.constant 0 : i32
    %sign3A_248 = arith.cmpi slt, %add3A_241, %sign3A_247 : i32
    %sign3A_249 = arith.extui %sign3A_248 : i1 to i32
    %sign3A_250 = arith.subi %sign3A_246, %sign3A_249 : i32
    %sign3A_251 = arith.constant 0 : i32
    %sign3A_252 = arith.cmpi sgt, %jit3A_242, %sign3A_251 : i32
    %sign3A_253 = arith.extui %sign3A_252 : i1 to i32
    %sign3A_254 = arith.constant 0 : i32
    %sign3A_255 = arith.cmpi slt, %jit3A_242, %sign3A_254 : i32
    %sign3A_256 = arith.extui %sign3A_255 : i1 to i32
    %sign3A_257 = arith.subi %sign3A_253, %sign3A_256 : i32
    %ne3A_258 = arith.cmpi ne, %sign3A_250, %sign3A_257 : i32
    %rem3A_259 = arith.remsi %add3A_241, %jit3A_242 : i32
    %ne3A_260 = arith.constant 0 : i32
    %ne3A_261 = arith.cmpi ne, %rem3A_259, %ne3A_260 : i32
    %and3A_262 = arith.andi %ne3A_258, %ne3A_261 : i1
    %sub3A_263 = arith.constant 1 : i32
    %sub3A_264 = arith.subi %div3A_243, %sub3A_263 : i32
    %select_n3A_265 = arith.select %and3A_262, %sub3A_264, %div3A_243 : i32
    %mul3A_266 = arith.constant 8 : i32
    %mul3A_267 = arith.muli %select_n3A_9, %mul3A_266 : i32
    %mul3A_268 = arith.constant 2 : i32
    %mul3A_269 = arith.muli %mul3A_267, %mul3A_268 : i32
    %add3A_270 = arith.constant 64 : i32
    %add3A_271 = arith.addi %add3A_270, %mul3A_269 : i32
    %dma_wait3A_272 = arith.constant 1 : i32
    %dma_wait3A_273 = arith.constant 1 : i32
    %dma_wait3A_274 = arith.constant 1 : i32
    %dma_wait3A_275 = arith.constant 0 : i32
    %dma_wait3A_276 = arith.constant 0 : i32
    %dma_wait3A_277 = tpu.memref_slice %arg7[%dma_wait3A_272, %dma_wait3A_273, %dma_wait3A_275, %dma_wait3A_276] : memref<2x2x512x16xf32, #tpu.memory_space<vmem>> -> memref<1x1x512x16xf32, #tpu.memory_space<vmem>>
    %dma_wait3A_278 = tpu.memref_squeeze %dma_wait3A_277 : memref<1x1x512x16xf32, #tpu.memory_space<vmem>> -> memref<512x16xf32, #tpu.memory_space<vmem>>
    %dma_wait3A_279 = tpu.memref_slice %arg4[%select_n3A_265, %add3A_271] : memref<65536x128xf32, #tpu.memory_space<hbm>> -> memref<512x16xf32, #tpu.memory_space<hbm>>
    %dma_wait3A_280 = tpu.memref_slice %arg9[%dma_wait3A_274] : memref<2x!tpu.dma_semaphore, #tpu.memory_space<semaphore_mem>> -> memref<1x!tpu.dma_semaphore, #tpu.memory_space<semaphore_mem>>
    %dma_wait3A_281 = tpu.memref_squeeze %dma_wait3A_280 : memref<1x!tpu.dma_semaphore, #tpu.memory_space<semaphore_mem>> -> memref<!tpu.dma_semaphore, #tpu.memory_space<semaphore_mem>>
    %dma_wait3A_282 = tpu.memref_slice %arg4[%select_n3A_265, %add3A_271] : memref<65536x128xf32, #tpu.memory_space<hbm>> -> memref<512x16xf32, #tpu.memory_space<hbm>>
    %dma_wait3A_283 = arith.constant 0 : i32
    %dma_wait3A_284 = arith.constant 0 : i32
    %dma_wait3A_285 = tpu.memref_slice %arg7[%dma_wait3A_272, %dma_wait3A_273, %dma_wait3A_283, %dma_wait3A_284] : memref<2x2x512x16xf32, #tpu.memory_space<vmem>> -> memref<1x1x512x16xf32, #tpu.memory_space<vmem>>
    %dma_wait3A_286 = tpu.memref_squeeze %dma_wait3A_285 : memref<1x1x512x16xf32, #tpu.memory_space<vmem>> -> memref<512x16xf32, #tpu.memory_space<vmem>>
    tpu.wait_dma2 semaphore(%dma_wait3A_281 : memref<!tpu.dma_semaphore, #tpu.memory_space<semaphore_mem>>) src(%dma_wait3A_286 : memref<512x16xf32, #tpu.memory_space<vmem>>) dst(%dma_wait3A_282 : memref<512x16xf32, #tpu.memory_space<hbm>>)
    return
  }
}

module attributes {stable_mosaic.version = 14 : i64} {
  func.func @_coord_body(%arg0: i32, %arg1: memref<3x8x8192xf32, #tpu.memory_space<vmem>>, %arg2: memref<3x12x8x128xf32, #tpu.memory_space<vmem>>, %arg3: memref<12x8x128xf32, #tpu.memory_space<vmem>>, %arg4: memref<4x64x8x128xf32, #tpu.memory_space<vmem>>) attributes {dimension_semantics = [#tpu.dimension_semantics<arbitrary>], iteration_bounds = array<i64: 16>, scalar_prefetch = 0 : i64, scratch_operands = 0 : i64, tpu.core_type = #tpu.core_type<tc>, window_params = [{transform_indices = @transform_0, window_bounds = array<i64: 3, 8, 8192>}, {pipeline_mode = #tpu.pipeline_mode<synchronous>, transform_indices = @transform_1, window_bounds = array<i64: 3, 12, 8, 128>}, {pipeline_mode = #tpu.pipeline_mode<synchronous>, transform_indices = @transform_2, window_bounds = array<i64: 12, 8, 128>}, {transform_indices = @transform_3, window_bounds = array<i64: 4, 64, 8, 128>}]} {
    %get3A = arith.constant 0 : index
    %get3A_0 = arith.constant 0 : index
    %get3A_1 = arith.constant 0 : index
    %get3A_2 = arith.constant 0 : index
    %get3A_3 = vector.load %arg2[%get3A, %get3A_0, %get3A_1, %get3A_2] : memref<3x12x8x128xf32, #tpu.memory_space<vmem>>, vector<3x12x8x128xf32>
    %get3A_4 = arith.constant 0 : index
    %get3A_5 = arith.constant 0 : index
    %get3A_6 = arith.constant 0 : index
    %get3A_7 = vector.load %arg3[%get3A_4, %get3A_5, %get3A_6] : memref<12x8x128xf32, #tpu.memory_space<vmem>>, vector<12x8x128xf32>
    %scan3A = arith.constant 0 : i32
    %scan3A_8 = arith.constant 64 : i32
    %scan3A_9 = arith.addi %scan3A, %scan3A_8 : i32
    %scan3A_10 = arith.constant 1 : i32
    scf.for %scan3A_12 = %scan3A to %scan3A_9 step %scan3A_10  : i32 {
      %mul3A = arith.constant 128 : i32
      %mul3A_13 = arith.muli %scan3A_12, %mul3A : i32
      %add3A = arith.constant 0 : i32
      %add3A_14 = arith.addi %add3A, %mul3A_13 : i32
      %get3A_15 = arith.constant 0 : index
      %get3A_16 = arith.constant 0 : index
      %get3A_17 = arith.index_cast %add3A_14 : i32 to index
      %get3A_18 = vector.load %arg1[%get3A_15, %get3A_16, %get3A_17] : memref<3x8x8192xf32, #tpu.memory_space<vmem>>, vector<3x8x128xf32>
      %slice3A = vector.extract_strided_slice %get3A_3 {offsets = [0, 0, 0, 0], sizes = [1, 12, 8, 128], strides = [1, 1, 1, 1]} : vector<3x12x8x128xf32> to vector<1x12x8x128xf32>
      %squeeze3A = vector.shape_cast %slice3A : vector<1x12x8x128xf32> to vector<12x8x128xf32>
      %slice3A_19 = vector.extract_strided_slice %get3A_18 {offsets = [0, 0, 0], sizes = [1, 8, 128], strides = [1, 1, 1]} : vector<3x8x128xf32> to vector<1x8x128xf32>
      %squeeze3A_20 = vector.shape_cast %slice3A_19 : vector<1x8x128xf32> to vector<8x128xf32>
      %broadcast_in_dim3A = vector.shape_cast %squeeze3A_20 : vector<8x128xf32> to vector<1x8x128xf32>
      %mul3A_21 = vector.broadcast %broadcast_in_dim3A : vector<1x8x128xf32> to vector<12x8x128xf32>
      %mul3A_22 = arith.mulf %squeeze3A, %mul3A_21 : vector<12x8x128xf32>
      %add3A_23 = arith.addf %get3A_7, %mul3A_22 : vector<12x8x128xf32>
      %slice3A_24 = vector.extract_strided_slice %get3A_3 {offsets = [1, 0, 0, 0], sizes = [1, 12, 8, 128], strides = [1, 1, 1, 1]} : vector<3x12x8x128xf32> to vector<1x12x8x128xf32>
      %squeeze3A_25 = vector.shape_cast %slice3A_24 : vector<1x12x8x128xf32> to vector<12x8x128xf32>
      %slice3A_26 = vector.extract_strided_slice %get3A_18 {offsets = [1, 0, 0], sizes = [1, 8, 128], strides = [1, 1, 1]} : vector<3x8x128xf32> to vector<1x8x128xf32>
      %squeeze3A_27 = vector.shape_cast %slice3A_26 : vector<1x8x128xf32> to vector<8x128xf32>
      %broadcast_in_dim3A_28 = vector.shape_cast %squeeze3A_27 : vector<8x128xf32> to vector<1x8x128xf32>
      %mul3A_29 = vector.broadcast %broadcast_in_dim3A_28 : vector<1x8x128xf32> to vector<12x8x128xf32>
      %mul3A_30 = arith.mulf %squeeze3A_25, %mul3A_29 : vector<12x8x128xf32>
      %add3A_31 = arith.addf %add3A_23, %mul3A_30 : vector<12x8x128xf32>
      %slice3A_32 = vector.extract_strided_slice %get3A_3 {offsets = [2, 0, 0, 0], sizes = [1, 12, 8, 128], strides = [1, 1, 1, 1]} : vector<3x12x8x128xf32> to vector<1x12x8x128xf32>
      %squeeze3A_33 = vector.shape_cast %slice3A_32 : vector<1x12x8x128xf32> to vector<12x8x128xf32>
      %slice3A_34 = vector.extract_strided_slice %get3A_18 {offsets = [2, 0, 0], sizes = [1, 8, 128], strides = [1, 1, 1]} : vector<3x8x128xf32> to vector<1x8x128xf32>
      %squeeze3A_35 = vector.shape_cast %slice3A_34 : vector<1x8x128xf32> to vector<8x128xf32>
      %broadcast_in_dim3A_36 = vector.shape_cast %squeeze3A_35 : vector<8x128xf32> to vector<1x8x128xf32>
      %mul3A_37 = vector.broadcast %broadcast_in_dim3A_36 : vector<1x8x128xf32> to vector<12x8x128xf32>
      %mul3A_38 = arith.mulf %squeeze3A_33, %mul3A_37 : vector<12x8x128xf32>
      %add3A_39 = arith.addf %add3A_31, %mul3A_38 : vector<12x8x128xf32>
      %mul3A_40 = arith.constant 0.159154937 : f32
      %mul3A_41 = vector.broadcast %mul3A_40 : f32 to vector<12x8x128xf32>
      %mul3A_42 = arith.mulf %add3A_39, %mul3A_41 : vector<12x8x128xf32>
      %add3A_43 = arith.constant 0x4B400000 : f32
      %add3A_44 = vector.broadcast %add3A_43 : f32 to vector<12x8x128xf32>
      %add3A_45 = arith.addf %mul3A_42, %add3A_44 : vector<12x8x128xf32>
      %sub3A = arith.constant 0x4B400000 : f32
      %sub3A_46 = vector.broadcast %sub3A : f32 to vector<12x8x128xf32>
      %sub3A_47 = arith.subf %add3A_45, %sub3A_46 : vector<12x8x128xf32>
      %mul3A_48 = arith.constant 6.281250e+00 : f32
      %mul3A_49 = vector.broadcast %mul3A_48 : f32 to vector<12x8x128xf32>
      %mul3A_50 = arith.mulf %sub3A_47, %mul3A_49 : vector<12x8x128xf32>
      %sub3A_51 = arith.subf %add3A_39, %mul3A_50 : vector<12x8x128xf32>
      %mul3A_52 = arith.constant 0.00193530717 : f32
      %mul3A_53 = vector.broadcast %mul3A_52 : f32 to vector<12x8x128xf32>
      %mul3A_54 = arith.mulf %sub3A_47, %mul3A_53 : vector<12x8x128xf32>
      %sub3A_55 = arith.subf %sub3A_51, %mul3A_54 : vector<12x8x128xf32>
      %mul3A_56 = arith.mulf %sub3A_55, %sub3A_55 : vector<12x8x128xf32>
      %mul3A_57 = arith.constant 1.34358691E-10 : f32
      %mul3A_58 = vector.broadcast %mul3A_57 : f32 to vector<12x8x128xf32>
      %mul3A_59 = arith.mulf %mul3A_58, %mul3A_56 : vector<12x8x128xf32>
      %add3A_60 = arith.constant -2.46723264E-8 : f32
      %add3A_61 = vector.broadcast %add3A_60 : f32 to vector<12x8x128xf32>
      %add3A_62 = arith.addf %mul3A_59, %add3A_61 : vector<12x8x128xf32>
      %mul3A_63 = arith.mulf %add3A_62, %mul3A_56 : vector<12x8x128xf32>
      %add3A_64 = arith.constant 2.75289267E-6 : f32
      %add3A_65 = vector.broadcast %add3A_64 : f32 to vector<12x8x128xf32>
      %add3A_66 = arith.addf %mul3A_63, %add3A_65 : vector<12x8x128xf32>
      %mul3A_67 = arith.mulf %add3A_66, %mul3A_56 : vector<12x8x128xf32>
      %add3A_68 = arith.constant -1.98401263E-4 : f32
      %add3A_69 = vector.broadcast %add3A_68 : f32 to vector<12x8x128xf32>
      %add3A_70 = arith.addf %mul3A_67, %add3A_69 : vector<12x8x128xf32>
      %mul3A_71 = arith.mulf %add3A_70, %mul3A_56 : vector<12x8x128xf32>
      %add3A_72 = arith.constant 8.333310e-03 : f32
      %add3A_73 = vector.broadcast %add3A_72 : f32 to vector<12x8x128xf32>
      %add3A_74 = arith.addf %mul3A_71, %add3A_73 : vector<12x8x128xf32>
      %mul3A_75 = arith.mulf %add3A_74, %mul3A_56 : vector<12x8x128xf32>
      %add3A_76 = arith.constant -0.166666642 : f32
      %add3A_77 = vector.broadcast %add3A_76 : f32 to vector<12x8x128xf32>
      %add3A_78 = arith.addf %mul3A_75, %add3A_77 : vector<12x8x128xf32>
      %mul3A_79 = arith.mulf %add3A_78, %mul3A_56 : vector<12x8x128xf32>
      %add3A_80 = arith.constant 1.000000e+00 : f32
      %add3A_81 = vector.broadcast %add3A_80 : f32 to vector<12x8x128xf32>
      %add3A_82 = arith.addf %mul3A_79, %add3A_81 : vector<12x8x128xf32>
      %mul3A_83 = arith.mulf %add3A_82, %sub3A_55 : vector<12x8x128xf32>
      %slice3A_84 = vector.extract_strided_slice %mul3A_83 {offsets = [0, 0, 0], sizes = [4, 8, 128], strides = [1, 1, 1]} : vector<12x8x128xf32> to vector<4x8x128xf32>
      %slice3A_85 = vector.extract_strided_slice %mul3A_83 {offsets = [4, 0, 0], sizes = [4, 8, 128], strides = [1, 1, 1]} : vector<12x8x128xf32> to vector<4x8x128xf32>
      %mul3A_86 = arith.mulf %slice3A_84, %slice3A_85 : vector<4x8x128xf32>
      %slice3A_87 = vector.extract_strided_slice %mul3A_83 {offsets = [8, 0, 0], sizes = [4, 8, 128], strides = [1, 1, 1]} : vector<12x8x128xf32> to vector<4x8x128xf32>
      %mul3A_88 = arith.mulf %mul3A_86, %slice3A_87 : vector<4x8x128xf32>
      %add3A_89 = arith.constant 1.000000e+00 : f32
      %add3A_90 = vector.broadcast %add3A_89 : f32 to vector<4x8x128xf32>
      %add3A_91 = arith.addf %mul3A_88, %add3A_90 : vector<4x8x128xf32>
      %mul3A_92 = arith.constant 4.096000e+03 : f32
      %mul3A_93 = vector.broadcast %mul3A_92 : f32 to vector<4x8x128xf32>
      %mul3A_94 = arith.mulf %add3A_91, %mul3A_93 : vector<4x8x128xf32>
      %sub3A_95 = arith.constant 1.000000e+00 : f32
      %sub3A_96 = vector.broadcast %sub3A_95 : f32 to vector<4x8x128xf32>
      %sub3A_97 = arith.subf %mul3A_94, %sub3A_96 : vector<4x8x128xf32>
      %mul3A_98 = arith.constant 5.000000e-01 : f32
      %mul3A_99 = vector.broadcast %mul3A_98 : f32 to vector<4x8x128xf32>
      %mul3A_100 = arith.mulf %sub3A_97, %mul3A_99 : vector<4x8x128xf32>
      %shift_right_arithmetic3A = arith.constant 7 : i32
      %shift_right_arithmetic3A_101 = arith.shrsi %add3A_14, %shift_right_arithmetic3A : i32
      %slice3A_102 = vector.extract_strided_slice %mul3A_100 {offsets = [0, 0, 0], sizes = [1, 8, 128], strides = [1, 1, 1]} : vector<4x8x128xf32> to vector<1x8x128xf32>
      %squeeze3A_103 = vector.shape_cast %slice3A_102 : vector<1x8x128xf32> to vector<8x128xf32>
      %swap3A = arith.constant 0 : index
      %swap3A_104 = arith.index_cast %shift_right_arithmetic3A_101 : i32 to index
      %swap3A_105 = arith.constant 0 : index
      %swap3A_106 = arith.constant 0 : index
      %swap3A_107 = vector.load %arg4[%swap3A, %swap3A_104, %swap3A_105, %swap3A_106] : memref<4x64x8x128xf32, #tpu.memory_space<vmem>>, vector<1x1x8x128xf32>
      %swap3A_108 = vector.shape_cast %swap3A_107 : vector<1x1x8x128xf32> to vector<8x128xf32>
      %swap3A_109 = vector.shape_cast %squeeze3A_103 : vector<8x128xf32> to vector<1x1x8x128xf32>
      tpu.vector_store %arg4[%swap3A, %swap3A_104, %swap3A_105, %swap3A_106], %swap3A_109 {strides = array<i32>} : memref<4x64x8x128xf32, #tpu.memory_space<vmem>>, vector<1x1x8x128xf32>,
      %slice3A_110 = vector.extract_strided_slice %mul3A_100 {offsets = [1, 0, 0], sizes = [1, 8, 128], strides = [1, 1, 1]} : vector<4x8x128xf32> to vector<1x8x128xf32>
      %squeeze3A_111 = vector.shape_cast %slice3A_110 : vector<1x8x128xf32> to vector<8x128xf32>
      %swap3A_112 = arith.constant 1 : index
      %swap3A_113 = arith.index_cast %shift_right_arithmetic3A_101 : i32 to index
      %swap3A_114 = arith.constant 0 : index
      %swap3A_115 = arith.constant 0 : index
      %swap3A_116 = vector.load %arg4[%swap3A_112, %swap3A_113, %swap3A_114, %swap3A_115] : memref<4x64x8x128xf32, #tpu.memory_space<vmem>>, vector<1x1x8x128xf32>
      %swap3A_117 = vector.shape_cast %swap3A_116 : vector<1x1x8x128xf32> to vector<8x128xf32>
      %swap3A_118 = vector.shape_cast %squeeze3A_111 : vector<8x128xf32> to vector<1x1x8x128xf32>
      tpu.vector_store %arg4[%swap3A_112, %swap3A_113, %swap3A_114, %swap3A_115], %swap3A_118 {strides = array<i32>} : memref<4x64x8x128xf32, #tpu.memory_space<vmem>>, vector<1x1x8x128xf32>,
      %slice3A_119 = vector.extract_strided_slice %mul3A_100 {offsets = [2, 0, 0], sizes = [1, 8, 128], strides = [1, 1, 1]} : vector<4x8x128xf32> to vector<1x8x128xf32>
      %squeeze3A_120 = vector.shape_cast %slice3A_119 : vector<1x8x128xf32> to vector<8x128xf32>
      %swap3A_121 = arith.constant 2 : index
      %swap3A_122 = arith.index_cast %shift_right_arithmetic3A_101 : i32 to index
      %swap3A_123 = arith.constant 0 : index
      %swap3A_124 = arith.constant 0 : index
      %swap3A_125 = vector.load %arg4[%swap3A_121, %swap3A_122, %swap3A_123, %swap3A_124] : memref<4x64x8x128xf32, #tpu.memory_space<vmem>>, vector<1x1x8x128xf32>
      %swap3A_126 = vector.shape_cast %swap3A_125 : vector<1x1x8x128xf32> to vector<8x128xf32>
      %swap3A_127 = vector.shape_cast %squeeze3A_120 : vector<8x128xf32> to vector<1x1x8x128xf32>
      tpu.vector_store %arg4[%swap3A_121, %swap3A_122, %swap3A_123, %swap3A_124], %swap3A_127 {strides = array<i32>} : memref<4x64x8x128xf32, #tpu.memory_space<vmem>>, vector<1x1x8x128xf32>,
      %slice3A_128 = vector.extract_strided_slice %mul3A_100 {offsets = [3, 0, 0], sizes = [1, 8, 128], strides = [1, 1, 1]} : vector<4x8x128xf32> to vector<1x8x128xf32>
      %squeeze3A_129 = vector.shape_cast %slice3A_128 : vector<1x8x128xf32> to vector<8x128xf32>
      %swap3A_130 = arith.constant 3 : index
      %swap3A_131 = arith.index_cast %shift_right_arithmetic3A_101 : i32 to index
      %swap3A_132 = arith.constant 0 : index
      %swap3A_133 = arith.constant 0 : index
      %swap3A_134 = vector.load %arg4[%swap3A_130, %swap3A_131, %swap3A_132, %swap3A_133] : memref<4x64x8x128xf32, #tpu.memory_space<vmem>>, vector<1x1x8x128xf32>
      %swap3A_135 = vector.shape_cast %swap3A_134 : vector<1x1x8x128xf32> to vector<8x128xf32>
      %swap3A_136 = vector.shape_cast %squeeze3A_129 : vector<8x128xf32> to vector<1x1x8x128xf32>
      tpu.vector_store %arg4[%swap3A_130, %swap3A_131, %swap3A_132, %swap3A_133], %swap3A_136 {strides = array<i32>} : memref<4x64x8x128xf32, #tpu.memory_space<vmem>>, vector<1x1x8x128xf32>,
    }
    %scan3A_11 = arith.constant 64 : i32
    return
  }
  func.func @transform_0(%arg0: i32) -> (i32, i32, i32) {
    %c0_i32 = arith.constant 0 : i32
    %c0_i32_0 = arith.constant 0 : i32
    %c0_i32_1 = arith.constant 0 : i32
    return %c0_i32, %c0_i32_0, %arg0 : i32, i32, i32
  }
  func.func @transform_1(%arg0: i32) -> (i32, i32, i32, i32) {
    %c0_i32 = arith.constant 0 : i32
    %c0_i32_0 = arith.constant 0 : i32
    %c0_i32_1 = arith.constant 0 : i32
    %c0_i32_2 = arith.constant 0 : i32
    %c0_i32_3 = arith.constant 0 : i32
    return %c0_i32, %c0_i32_0, %c0_i32_1, %c0_i32_2 : i32, i32, i32, i32
  }
  func.func @transform_2(%arg0: i32) -> (i32, i32, i32) {
    %c0_i32 = arith.constant 0 : i32
    %c0_i32_0 = arith.constant 0 : i32
    %c0_i32_1 = arith.constant 0 : i32
    %c0_i32_2 = arith.constant 0 : i32
    return %c0_i32, %c0_i32_0, %c0_i32_1 : i32, i32, i32
  }
  func.func @transform_3(%arg0: i32) -> (i32, i32, i32, i32) {
    %c0_i32 = arith.constant 0 : i32
    %c0_i32_0 = arith.constant 0 : i32
    %c0_i32_1 = arith.constant 0 : i32
    %c0_i32_2 = arith.constant 0 : i32
    return %c0_i32, %arg0, %c0_i32_0, %c0_i32_1 : i32, i32, i32, i32
  }
}

</mosaic_0001>

<sc_bundles>
// kernel: kernel.4.cloned.1.call-start
scs
__scs_entry_jumppad:
0x0: {  	(pc) =	sbr.rel $0x88, $3  }
0x1: {  	(tag) =	ssettag $0x0;
	lr =	simm.s32 $0x1  }
0x2: {  	[smem:$0x3F9D] =	sst lr;
	_ =	strace $0xD0000000  }
0x3: {  	_ = 	snop  }
0x4: {  	_ = 	snop  }
0x5: {  	_ = 	snop  }
0x6: {  	_ = 	snop  }
0x7: {  	_ = 	snop  }
__scs_overlays_trampoline_lowered:
0x8: {  	[smem:$0x3FAC] =	sst s0  }
0x9: {  	[smem:$0x3FAD] =	sst s1  }
0xa: {  	[smem:$0x3FAE] =	sst s2  }
0xb: {  	[smem:$0x3FAF] =	sst s3  }
0xc: {  	[smem:$0x3FB0] =	sst s4  }
0xd: {  	[smem:$0x3FB1] =	sst s5  }
0xe: {  	[smem:$0x3FB2] =	sst s6  }
0xf: {  	[smem:$0x3FB3] =	sst s7  }
0x10: {  	[smem:$0x3FB4] =	sst s8  }
0x11: {  	[smem:$0x3FB5] =	sst s9;
	s0 =	simm.s32 @!p0 $0x0  }
0x12: {  	s1 =	sld [smem:$0x3F9B];
	s0 =	simm.s32 @p0 $0x1  }
0x13: {  	[smem:$0x3FB6] =	sst s0;
	s0 =	simm.s32 @!p1 $0x0  }
0x14: {  	s2 =	sld [smem:$0x3F9A];
	s0 =	simm.s32 @p1 $0x1  }
0x15: {  	[smem:$0x3FB7] =	sst s0;
	s0 =	simm.s32 @!p2 $0x0  }
0x16: {  	s3 =	sld [smem:$0x3FDB];
	s0 =	simm.s32 @p2 $0x1  }
0x17: {  	s4 =	simm.s32 $0x1BF5;
	[smem:$0x3FB9] =	sst s0  }
0x18: {  	s0 =	sld [smem:$0x3F9C];
	_ =	swait.ge [sflag:s4], $0x0  }
0x19: {  	s7 =	sld [smem:$0x3F9D]  }
0x1a: {  	s8 =	sadd.s32 $0xFFFFE003, lr  }
0x1b: {  	s9 =	sadd.s32 $0xFFFFFEF7, lr;
	s5 =	simm.s32 $0xFFFFFFFF;
	p2 =	slt.u32 s8, $0xFFFFF086  }
0x1c: {  	p1 =	slt.u32 s9, $0xF7A;
	s5 =	simm.s32 @!p2 $0x0  }
0x1d: {  	s5 =	simm.s32 @p1 $0x1;
	p0 =	seq.s32 s7, s2  }
0x1e: {  	s7 =	smul.u32 @!p0 $0xF7A, s2;
	p2 =	seq.s32 @!p0 s5, $0x0  }
0x1f: {  	s9 =	smul.u32 $0xF7A, s1;
	s8 =	simm.s32 @!p0 $0x1BF5;
	p2 =	por !p2, p0  }
0x20: {  	[sflag:s8] =	ssyncset.s32 @!p0 $0xFFFFF086;
	s6 =	sadd.s32 @!p0 s3, s7;
	s7 =	simm.s32 @!p0 $0x108  }
0x21: {  	s3 =	sadd.s32 s3, s9;
	s6 =	sadd.s32 @!p0 $0x88, s6;
	s7 =	simm.s32 @p2 $0x1082  }
0x22: {  	[simem:s7], [sflag:s8] =	dma.local @!p0 [hbm:s6], $0xF7A  }
0x23: {  	s9 =	sor.u32 $0xD0000000, s2;
	s6 =	simm.s32 $0x108;
	_ =	swait.ge @!p0 [sflag:s8], $0x0  }
0x24: {  	s3 =	sadd.s32 $0x88, s3;
	s6 =	simm.s32 @!p1 $0x1082;
	[sflag:s4] =	ssyncset.s32 $0xFFFFF086  }
0x25: {  	[simem:s6], [sflag:s4] =	dma.local [hbm:s3], $0xF7A  }
0x26: {  	[smem:$0x3F9D] =	sst s1;
	(tag) =	ssettag s2;
	_ =	strace s9  }
0x27: {  	s1 =	sld [smem:$0x3FAD]  }
0x28: {  	s2 =	sld [smem:$0x3FAE]  }
0x29: {  	s4 =	sld [smem:$0x3FB0]  }
0x2a: {  	p0 =	seq.s32 s5, $0x0;
	s5 =	sld [smem:$0x3FB1]  }
0x2b: {  	s6 =	sld [smem:$0x3FB2]  }
0x2c: {  	s7 =	sld [smem:$0x3FB3]  }
0x2d: {  	s3 =	simm.s32 $0x108;
	s8 =	sld [smem:$0x3FB4]  }
0x2e: {  	s3 =	simm.s32 @!p0 $0x1082;
	s9 =	sld [smem:$0x3FB5]  }
0x2f: {  	lr =	sadd.s32 s0, s3;
	s0 =	sld [smem:$0x3FAC]  }
0x30: {  	s3 =	sld [smem:$0x3FAF]  }
0x31: {  	[smem:$0x3FB8] =	sst s10  }
0x32: {  	s10 =	sld [smem:$0x3FB6];
	_ =	sdelay $0x3  }
0x33: {  	p0 =	seq.s32 s10, $0x1;
	s10 =	sld [smem:$0x3FB8];
	_ =	sdelay $0x3  }
0x34: {  	[smem:$0x3FB8] =	sst s10  }
0x35: {  	s10 =	sld [smem:$0x3FB7];
	_ =	sdelay $0x3  }
0x36: {  	p1 =	seq.s32 s10, $0x1;
	s10 =	sld [smem:$0x3FB8];
	_ =	sdelay $0x3  }
0x37: {  	[smem:$0x3FB8] =	sst s10  }
0x38: {  	s10 =	sld [smem:$0x3FB9]  }
0x39: {  	_ = 	snop;
	(pc) =	sbr.ind lr, $3  }
0x3a: {  	_ = 	snop  }
0x3b: {  	_ = 	snop  }
0x3c: {  	p2 =	seq.s32 s10, $0x1;
	s10 =	sld [smem:$0x3FB8]  }
0x3d: {  	_ =	shalt  }
0x3e: {  	_ =	shalt  }
0x3f: {  	_ =	shalt  }
0x40: {  	_ =	shalt  }
0x41: {  	_ =	shalt  }
0x42: {  	_ =	shalt  }
0x43: {  	_ =	shalt  }
0x44: {  	_ =	shalt  }
0x45: {  	_ =	shalt  }
0x46: {  	_ =	shalt  }
0x47: {  	_ =	shalt  }
0x48: {  	_ =	shalt  }
0x49: {  	_ =	shalt  }
0x4a: {  	_ =	shalt  }
0x4b: {  	_ =	shalt  }
0x4c: {  	_ =	shalt  }
0x4d: {  	_ =	shalt  }
0x4e: {  	_ =	shalt  }
0x4f: {  	_ =	shalt  }
0x50: {  	_ =	shalt  }
0x51: {  	_ =	shalt  }
0x52: {  	_ =	shalt  }
0x53: {  	_ =	shalt  }
0x54: {  	_ =	shalt  }
0x55: {  	_ =	shalt  }
0x56: {  	_ =	shalt  }
0x57: {  	_ =	shalt  }
0x58: {  	_ =	shalt  }
0x59: {  	_ =	shalt  }
0x5a: {  	_ =	shalt  }
0x5b: {  	_ =	shalt  }
0x5c: {  	_ =	shalt  }
0x5d: {  	_ =	shalt  }
0x5e: {  	_ =	shalt  }
0x5f: {  	_ =	shalt  }
0x60: {  	_ =	shalt  }
0x61: {  	_ =	shalt  }
0x62: {  	_ =	shalt  }
0x63: {  	_ =	shalt  }
0x64: {  	_ =	shalt  }
0x65: {  	_ =	shalt  }
0x66: {  	_ =	shalt  }
0x67: {  	_ =	shalt  }
0x68: {  	_ =	shalt  }
0x69: {  	_ =	shalt  }
0x6a: {  	_ =	shalt  }
0x6b: {  	_ =	shalt  }
0x6c: {  	_ =	shalt  }
0x6d: {  	_ =	shalt  }
0x6e: {  	_ =	shalt  }
0x6f: {  	_ =	shalt  }
0x70: {  	_ =	shalt  }
0x71: {  	_ =	shalt  }
0x72: {  	_ =	shalt  }
0x73: {  	_ =	shalt  }
0x74: {  	_ =	shalt  }
0x75: {  	_ =	shalt  }
0x76: {  	_ =	shalt  }
0x77: {  	_ =	shalt  }
0x78: {  	_ =	shalt  }
0x79: {  	_ =	shalt  }
0x7a: {  	_ =	shalt  }
0x7b: {  	_ =	shalt  }
0x7c: {  	_ =	shalt  }
0x7d: {  	_ =	shalt  }
0x7e: {  	_ =	shalt  }
0x7f: {  	_ =	shalt  }
0x80: {  	_ =	shalt  }
0x81: {  	_ =	shalt  }
0x82: {  	_ =	shalt  }
0x83: {  	_ =	shalt  }
0x84: {  	_ =	shalt  }
0x85: {  	_ =	shalt  }
0x86: {  	_ =	shalt  }
0x87: {  	_ =	shalt  }
.Lfunc_end0:
.L_simem_size_0:
called_computation.1_lowered:
.L_overlay_start_0:
0x88: {  	s2 =	sld [smem:$0x3FD9]  }
0x89: {  	s3 =	sld [smem:$0x3FFE];
	_ =	sdelay $0x1  }
0x8a: {  	s1 =	srdreg.scid  }
0x8b: {  	s0 =	sand.u32 $0x1, s1  }
0x8c: {  	s17 =	sshll.u32 s0, $0xA;
	s2 =	sadd.s32 s3, s2  }
0x8d: {  	s2 =	sadd.s32 s2, s17  }
0x8e: {  	[smem:$0x3FC4] =	sst s2  }
0x8f: {  	_ = 	snop  }
0x90: {  	s2 =	sld [smem:$0x3FD0];
	(tm) =	ssettm $0x1  }
0x91: {  	s18 =	sld [smem:$0x3FFB];
	_ =	sdelay $0x3  }
0x92: {  	_ =	strace s18  }
0x93: {  	s3 =	sld [smem:$0x3FFC];
	_ =	sdelay $0x3  }
0x94: {  	_ =	strace s3  }
0x95: {  	s3 =	sld [smem:$0x3FFD];
	_ =	sdelay $0x3  }
0x96: {  	_ =	strace s3  }
0x97: {  	_ =	strace $0x8FFFFFFF  }
0x98: {  	s19 =	sld [smem:$0x3FDB];
	_ =	sdelay $0x1  }
0x99: {  	s4 =	simm.s32 $_scs_section_size  }
0x9a: {  	s5 =	simm.s32 $_size__tile_overlayer_lowered;
	s6 =	simm.s32 $_tile_overlayer_lowered  }
0x9b: {  	s22 =	simm.s32 $0x1BFF;
	s21 =	sshll.u32 s6, $0x1;
	s3 =	sadd.s32 s4, s19  }
0x9c: {  	s7 =	simm.s32 $0x0;
	s20 =	sshll.u32 s5, $0x1;
	s5 =	sadd.s32 s21, s3  }
0x9d: {  	[timem:s7], [sflag:s22] =	dma.local [hbm:s5], s20  }
0x9e: {  	_ =	swait.ge [sflag:s22], s20  }
0x9f: {  	s4 =	ssub.s32 $0x0, s20;
	[sflag:s22] =	ssyncset.done $0x0  }
0xa0: {  	[sflag:s22] =	ssyncadd.s32 s4;
	_ =	sdelay $0x1  }
0xa1: {  	s23 =	simm.s32 $0x1B8B  }
0xa2: {  	_ =	swait.ge [sflag:s23], $0x1  }
0xa3: {  	[sflag:s23] =	ssyncset.done $0x0  }
0xa4: {  	s25 =	simm.s32 $0x1B8E;
	s24 =	sld [smem:$0x3FFE];
	[sflag:s23] =	ssyncadd.s32 $0xFFFFFFFF  }
0xa5: {  	s26 =	simm.s32 $execute0_lowered;
	[smem:$0x3FD2] =	sst s25  }
0xa6: {  	s5 =	sshll.u32 s26, $0x1;
	_ =	strace $0x80000046;
	[dreg:$0x1] =	wrdreg $0xFFFFFFFF  }
0xa7: {  	s28 =	simm.s32 $_size_execute0_lowered;
	s3 =	sadd.s32 s3, s5;
	[dreg:$0x0] =	wrdreg $0x0  }
0xa8: {  	s5 =	sshll.u32 s28, $0x1;
	[dreg:$0x2] =	wrdreg s3  }
0xa9: {  	[dreg:$0x3] =	wrdreg s5  }
0xaa: {  	[dreg:$0x4] =	wrdreg $0xC0  }
0xab: {  	_ =	task [dreg:s7], $0x5FFFF  }
0xac: {  	[dreg:$0x1] =	wrdreg $0xFFFFFFFF  }
0xad: {  	[dreg:$0x0] =	wrdreg $0x60  }
0xae: {  	[dreg:$0x2] =	wrdreg s24  }
0xaf: {  	[dreg:$0x3] =	wrdreg s2  }
0xb0: {  	[dreg:$0x4] =	wrdreg $0x9  }
0xb1: {  	_ =	task.clear_ibuf [dreg:s7], $0x5FFFF;
	_ =	strace $0x90000046  }
0xb2: {  	s29 =	simm.s32 $0x9;
	_ =	strace $0x80000048  }
0xb3: {  	_ =	swait.ge [sflag:s29], $0x1  }
0xb4: {  	[sflag:s29] =	ssyncadd.s32 $0xFFFFFFFF  }
0xb5: {  	_ =	strace $0x90000048  }
0xb6: {  	_ =	sfence  }
0xb7: {  	s30 =	sld [smem:$0x0];
	_ =	sdelay $0x2  }
0xb8: {  	s31 =	sshll.u32 s1, $0xD;
	s1 =	sshrl.u32 s1, $0x2  }
0xb9: {  	s3 =	sand.u32 $0x4000, s31;
	s1 =	sadd.s32 s1, s30  }
0xba: {  	s0 =	sor.u32 s3, s0;
	s1 =	sshll.u32 s1, $0x11  }
0xbb: {  	s0 =	sor.u32 s1, s0  }
0xbc: {  	s0 =	sadd.s32 $0x8F2B, s0  }
0xbd: {  	[sflag:s0] =	ssyncadd.remote.s32 $0x1  }
0xbe: {  	_ =	sfence.sel $0xFFFF  }
0xbf: {  	[dreg:$0x0] =	wrdreg $0xFFFFFFFF;
	(pc) =	sbr.abs _section_cstart, $3  }
0xc0: {  	[dreg:$0x1] =	wrdreg $0xFFFFFFFF  }
0xc1: {  	_ =	task.clear_ibuf [dreg:s7], $0x2FFFF;
	_ =	strace $0x9FFFFFFF  }
0xc2: {  	(tm) =	ssettm $0x7FFFFFFF  }
0xc3: {  	_ =	shalt  }
tec
execute0_lowered:
.L_overlay_start_1:
0x0: {  	(tag) =	ssettag $0x1  }
0x1: {  	vm14 =	vcmask $0x300;
	v0 =	vimm.s32 $0x381  }
0x2: {  	vm13 =	vcmask $0x704;
	vm12 =	vcmask $0xB08;
	vm11 =	vcmask $0xF0C  }
0x3: {  	vm10 =	vcmask $0x1310;
	vm9 =	vcmask $0x1714;
	vm8 =	vcmask $0x1B18  }
0x4: {  	vm7 =	vcmask $0x1F1C;
	vm6 =	vcmask $0x2320;
	vm5 =	vcmask $0x2724  }
0x5: {  	v1 =	vimm.s32 $0x0;
	vm4 =	vcmask $0x2B28;
	vm2 =	vcmask $0x2F2C  }
0x6: {  	v3 =	vimm.s32 $0xFDB97531;
	vm3 =	vcmask $0x3330;
	vm0 =	vcmask $0x3734  }
0x7: {  	v4 =	vlaneseq.u32;
	vm1 =	vcmask $0x3B38;
	vm15 =	vcmask $0x1F00  }
0x8: {  	v12 =	vimm.s32 $0x383;
	v13 =	vimm.s32 $0x385;
	v14 =	vimm.s32 $0x387  }
0x9: {  	v0 =	vsel vm14, $0x0, v0;
	v3 =	vunpack.c.l.s4.s8 v3;
	v4 =	vand.u32 $0x7, v4  }
0xa: {  	v12 =	vsel vm14, $0x2, v12;
	v13 =	vsel vm14, $0x4, v13;
	v14 =	vsel vm14, $0x6, v14  }
0xb: {  	v0 =	vsel vm13, $0x80, v0;
	v12 =	vsel vm13, $0x82, v12;
	v13 =	vsel vm13, $0x84, v13  }
0xc: {  	v14 =	vsel vm13, $0x86, v14;
	v0 =	vsel vm12, $0x100, v0;
	v3 =	vunpack.c.0.s8.s32 v3  }
0xd: {  	v12 =	vsel vm12, $0x102, v12;
	v13 =	vsel vm12, $0x104, v13;
	v14 =	vsel vm12, $0x106, v14  }
0xe: {  	v0 =	vsel vm11, $0x180, v0;
	v12 =	vsel vm11, $0x182, v12;
	v13 =	vsel vm11, $0x184, v13  }
0xf: {  	v14 =	vsel vm11, $0x186, v14;
	v0 =	vsel vm10, $0x200, v0;
	v3 =	vand.u32 $0xF, v3  }
0x10: {  	v12 =	vsel vm10, $0x202, v12;
	v13 =	vsel vm10, $0x204, v13;
	v14 =	vsel vm10, $0x206, v14  }
0x11: {  	v0 =	vsel vm9, $0x280, v0;
	v12 =	vsel vm9, $0x282, v12;
	v13 =	vsel vm9, $0x284, v13  }
0x12: {  	v14 =	vsel vm9, $0x286, v14;
	v0 =	vsel vm8, $0x300, v0;
	v12 =	vsel vm8, $0x302, v12  }
0x13: {  	v13 =	vsel vm8, $0x304, v13;
	v14 =	vsel vm8, $0x306, v14;
	v0 =	vsel vm7, $0x380, v0  }
0x14: {  	v12 =	vsel vm7, $0x382, v12;
	v13 =	vsel vm7, $0x384, v13;
	v14 =	vsel vm7, $0x386, v14  }
0x15: {  	v0 =	vsel vm6, $0x1, v0;
	v12 =	vsel vm6, $0x3, v12;
	v13 =	vsel vm6, $0x5, v13  }
0x16: {  	v14 =	vsel vm6, $0x7, v14;
	v2 =	vsel vm5, $0x81, v0;
	v0 =	vsel vm14, $0x3, v1  }
0x17: {  	s0 =	rddreg [dreg:$0x0];
	v12 =	vsel vm5, $0x83, v12;
	v13 =	vsel vm5, $0x85, v13;
	v14 =	vsel vm5, $0x87, v14  }
0x18: {  	s1 =	rddreg [dreg:$0x1];
	v1 =	vsel vm4, $0x101, v2;
	v2 =	vimm.s32 $0xECA86420;
	v12 =	vsel vm4, $0x103, v12  }
0x19: {  	s7 =	stileid.u32;
	s3 =	simm.s32 $0x0;
	s2 =	srdreg.scid;
	v13 =	vsel vm4, $0x105, v13;
	v14 =	vsel vm4, $0x107, v14;
	v1 =	vsel vm2, $0x181, v1  }
0x1a: {  	s17 =	simm.s32 $0x10080;
	s18 =	simm.s32 $0x12080;
	s19 =	simm.s32 $0x1;
	v2 =	vunpack.c.l.s4.s8 v2;
	v12 =	vsel vm2, $0x183, v12;
	v13 =	vsel vm2, $0x185, v13  }
0x1b: {  	s20 =	simm.s32 $0x14080;
	s21 =	simm.s32 $0x10;
	s22 =	simm.s32 $0x80;
	v14 =	vsel vm2, $0x187, v14;
	v1 =	vsel vm3, $0x201, v1;
	v12 =	vsel vm3, $0x203, v12  }
0x1c: {  	s24 =	simm.s32 $0x2;
	s25 =	simm.s32 $0x18080;
	s29 =	simm.s32 $0x4;
	v13 =	vsel vm3, $0x205, v13;
	v14 =	vsel vm3, $0x207, v14;
	v2 =	vunpack.c.0.s8.s32 v2  }
0x1d: {  	s4 =	sshll.u32 s7, $0x1;
	[smem:$0x7FF] =	sst s3;
	s2 =	sand.u32 $0x1, s2;
	v5 =	vsel vm0, $0x281, v1;
	v1 =	vmul.u32 $0x1008, v4;
	v12 =	vsel vm0, $0x283, v12  }
0x1e: {  	s7 =	sshrl.u32 s7, $0x1;
	s4 =	sand.u32 $0x2, s4;
	_ =	strace $0x80000047;
	v13 =	vsel vm0, $0x285, v13;
	v14 =	vsel vm0, $0x287, v14;
	v12 =	vsel vm1, $0x303, v12  }
0x1f: {  	s8 =	sshll.u32 s7, $0x11;
	s6 =	sor.u32 s2, s4;
	s2 =	ssub.s32 $0x2, s2;
	v13 =	vsel vm1, $0x305, v13;
	v14 =	vsel vm1, $0x307, v14;
	v4 =	vand.u32 $0xF, v2  }
0x20: {  	s5 =	smul.u32 $0x1008, s6;
	s9 =	sshll.u32 s6, $0x14;
	s26 =	sshrl.u32 s2, $0x1;
	v2 =	vsel vm1, $0x301, v5;
	v5 =	vnsel vm15, $0x200F, v3;
	v4 =	vnsel vm15, $0x200E, v4  }
0x21: {  	s4 =	sadd.s32 $0x8A00, s0;
	s9 =	sor.u32 s8, s9;
	s2 =	ssub.s32 s2, s26;
	v3 =	vadd.s32 $0x8040, v1;
	v5 =	vsel vm6, $0x2001, v5;
	v6 =	vsel vm6, $0x2000, v4  }
0x22: {  	s8 =	sshll.u32 s6, $0x4;
	s26 =	simm.s32 $0x1A080;
	s0 =	sadd.s32 s5, s0;
	v4 =	vor.u32 $0x1, v1;
	v7 =	vsel vm5, $0x2003, v5;
	v6 =	vsel vm5, $0x2002, v6  }
.Ltmp0:
0x23: {  	s5 =	sshll.u32 s7, $0x14;
	s31 =	smax.u32 s2, $0x1;
	v5 =	vadd.s32 $0x8041, v1;
	v7 =	vsel vm4, $0x2005, v7;
	v8 =	vsel vm4, $0x2004, v6;
	(pc) =	sbr.rel .LBB2_1-.Ltmp0, $4  }
0x24: {  	s28 =	sshrl.u32 s9, $0x3;
	s0 =	sadd.s32 $0x800, s0;
	[dreg:$0x6] =	wrdreg s31;
	v6 =	vor.u32 $0x2, v1;
	v9 =	vsel vm2, $0x2007, v7;
	v8 =	vsel vm2, $0x2006, v8  }
0x25: {  	s10 =	sor.u32 $0x40, s8;
	s30 =	sadd.s32 s4, s28;
	[dreg:$0x3] =	wrdreg s0;
	v7 =	vadd.s32 $0x8042, v1;
	v9 =	vsel vm3, $0x2009, v9;
	v10 =	vsel vm3, $0x2008, v8  }
0x26: {  	s11 =	sor.u32 $0x4000, s9;
	[dreg:$0x4] =	wrdreg s30;
	s0 =	sadd.s32 $0x400, s30;
	v8 =	vor.u32 $0x3, v1;
	v11 =	vsel vm0, $0x200B, v9;
	v10 =	vsel vm0, $0x200A, v10  }
0x27: {  	s12 =	sor.u32 $0x6000, s9;
	s2 =	simm.s32 $0x0;
	[dreg:$0x5] =	wrdreg s0;
	v9 =	vadd.s32 $0x8043, v1;
	v11 =	vsel vm1, $0x200D, v11;
	v10 =	vsel vm1, $0x200C, v10  }
.LBB2_12:
0x28: {  	s0 =	simm.s32 $0x3  }
0x29: {  	_ =	swait.ge [sflag:s0], $0x2000  }
0x2a: {  	[sflag:s0] =	ssyncset.done $0x0  }
0x2b: {  	[sflag:s0] =	ssyncadd.s32 $0xFFFFE000  }
0x2c: {  	_ =	swait.ge [sflag:s0], $0x2000  }
0x2d: {  	[sflag:s0] =	ssyncset.done $0x0  }
0x2e: {  	[sflag:s0] =	ssyncadd.s32 $0xFFFFE000  }
0x2f: {  	_ =	swait.ge [sflag:s29], $0x2000  }
0x30: {  	[sflag:s29] =	ssyncset.done $0x0  }
0x31: {  	[sflag:s29] =	ssyncadd.s32 $0xFFFFE000  }
0x32: {  	_ =	swait.ge [sflag:s29], $0x2000  }
0x33: {  	s2 =	rddreg [dreg:$0x7]  }
0x34: {  	s31 =	rddreg [dreg:$0x6];
	s2 =	sadd.s32 $0x1, s2  }
0x35: {  	p0 =	sne.s32 s2, s31  }
.Ltmp1:
0x36: {  	_ = 	snop;
	(pc) =	sbr.rel @!p0 .LBB2_13-.Ltmp1, $3  }
0x37: {  	_ =	sdelay $0x1  }
0x38: {  	[sflag:s29] =	ssyncset.done $0x0  }
0x39: {  	[sflag:s29] =	ssyncadd.s32 $0xFFFFE000  }
.LBB2_1:
0x3a: {  	[dreg:$0x7] =	wrdreg s2  }
0x3b: {  	s0 =	rddreg [dreg:$0x3]  }
0x3c: {  	s16 =	simm.s32 $0x8040;
	s6 =	simm.s32 $0x20100;
	s23 =	simm.s32 $0x5  }
0x3d: {  	[tilespmem:s3], [sflag:$0x5] =	stream.strided.gather [hbm4b:s0+s16], $0x10080, s6, s16, $0x38;
	[tilespmem:$0x1C080] =	vst v63  }
0x3e: {  	_ =	swait.ge [sflag:s23], $0x10080  }
0x3f: {  	[sflag:s23] =	ssyncset.done $0x0  }
0x40: {  	s28 =	rddreg [dreg:$0x4];
	[sflag:s23] =	ssyncadd.s32 $0xFFFEFF80  }
0x41: {  	[tilespmem:s17], [sflag:$0x1] =	stream.linear.gather [hbm4b:s28+s3], $0x2000, $0x38;
	[tilespmem:$0x1C080] =	vst v63  }
0x42: {  	s31 =	simm.s32 $0x0;
	s30 =	rddreg [dreg:$0x5]  }
0x43: {  	[tilespmem:s18], [sflag:$0x2] =	stream.linear.gather [hbm4b:s30+s3], $0x2000, $0x38;
	[tilespmem:$0x1C080] =	vst v63  }
.LBB2_2:
0x44: {  	p0 =	seq.s32 s31, $0x0  }
0x45: {  	s0 =	simm.s32 @!p0 $0x3  }
0x46: {  	_ =	swait.ge @!p0 [sflag:s0], $0x2000  }
0x47: {  	[sflag:s0] =	ssyncset.done @!p0 $0x0  }
0x48: {  	[sflag:s0] =	ssyncadd.s32 @!p0 $0xFFFFE000  }
0x49: {  	_ =	swait.ge @!p0 [sflag:s0], $0x2000  }
0x4a: {  	[sflag:s0] =	ssyncset.done @!p0 $0x0  }
0x4b: {  	[sflag:s0] =	ssyncadd.s32 @!p0 $0xFFFFE000  }
0x4c: {  	_ =	swait.ge [sflag:s19], $0x2000  }
0x4d: {  	s2 =	simm.s32 $0x0;
	s14 =	simm.s32 $0x3;
	[sflag:s19] =	ssyncset.done $0x0  }
0x4e: {  	s15 =	simm.s32 $0x0;
	s0 =	sshll.u32 s31, $0xE;
	[sflag:s19] =	ssyncadd.s32 $0xFFFFE000  }
.LBB2_3:
0x4f: {  	s6 =	simm.s32 $0x2  }
0x50: {  	v15 =	vmov s6  }
0x51: {  	s16 =	sshll.u32 s15, $0xA;
	v16 =	vshrl.u32 v15, $0x3  }
0x52: {  	v15 =	vmov s16;
	v16 =	vshll.u32 v16, v0  }
0x53: {  	v16 =	vor.u32 v15, v16  }
0x54: {  	s23 =	simm.s32 $0x4;
	v16 =	vbroadcast v16, $0x0  }
0x55: {  	v17 =	vmov s23  }
0x56: {  	v17 =	vshrl.u32 v17, $0x3;
	v16 =	vor.u32 v12, v16  }
0x57: {  	v19 =	vmov s2;
	v17 =	vshll.u32 v17, v0  }
0x58: {  	v19 =	vshrl.u32 v19, $0x3;
	v17 =	vor.u32 v15, v17  }
0x59: {  	v19 =	vshll.u32 v19, v0;
	v17 =	vbroadcast v17, $0x0  }
0x5a: {  	v19 =	vor.u32 v15, v19  }
0x5b: {  	s28 =	simm.s32 $0x6;
	v19 =	vbroadcast v19, $0x0;
	v17 =	vor.u32 v13, v17;
	v16 =	vld.idx.msk [tilespmem:v16+s17+$0x0], $0xffff  }
0x5c: {  	v18 =	vmov s28  }
0x5d: {  	v18 =	vshrl.u32 v18, $0x3;
	v19 =	vor.u32 v2, v19  }
0x5e: {  	v18 =	vshll.u32 v18, v0  }
0x5f: {  	v18 =	vor.u32 v15, v18  }
0x60: {  	v18 =	vbroadcast v18, $0x0;
	v17 =	vld.idx.msk [tilespmem:v17+s17+$0x0], $0xffff;
	v16 =	vadd.f32 $1.000000000e+00, v16;
	_ =	sdelay $0x1  }
0x61: {  	v18 =	vor.u32 v14, v18;
	v33 =	vld.idx.msk [tilespmem:v19+s17+$0x0], $0xffff;
	v20 =	vtrunc.f32 v16  }
0x62: {  	v20 =	vcvt.f32.s32 v20  }
0x63: {  	s6 =	sshll.u32 s14, $0x4  }
0x64: {  	s7 =	sadd.s32 $0xFFFFFFE0, s6;
	v17 =	vadd.f32 $1.000000000e+00, v17;
	v21 =	vcvt.s32.f32 v20  }
0x65: {  	v23 =	vadd.s32 s7, v11  }
0x66: {  	v18 =	vld.idx.msk [tilespmem:v18+s17+$0x0], $0xffff;
	v33 =	vadd.f32 $1.000000000e+00, v33;
	v19 =	vtrunc.f32 v17;
	v21 =	vsub.f32 v16, v21  }
0x67: {  	v22 =	vadd.s32 v9, v20;
	v24 =	vadd.s32 v6, v20;
	v25 =	vadd.s32 v5, v20  }
0x68: {  	v26 =	vadd.s32 v8, v20;
	v16 =	vadd.s32 v1, v20;
	v27 =	vmul.f32 v21, v21  }
0x69: {  	v29 =	vadd.s32 v3, v20;
	v30 =	vadd.s32 v4, v20;
	v34 =	vadd.s32 v7, v20  }
0x6a: {  	v20 =	vcvt.f32.s32 v19;
	v31 =	vmul.f32 v27, v21;
	v32 =	vadd.f32 v27, v27  }
0x6b: {  	v28 =	vadd.s32 s7, v10;
	v18 =	vadd.f32 $1.000000000e+00, v18;
	v57 =	vtrunc.f32 v33  }
0x6c: {  	s9 =	sadd.s32 $0xFFFFFFD0, s6;
	v56 =	vcvt.s32.f32 v20;
	v52 =	vadd.s32 v4, v20;
	v32 =	vsub.f32 v31, v32  }
0x6d: {  	v19 =	vmul.f32 $2.250000000e+00, v27;
	v36 =	vld.idx.msk [tilespmem:v16+s3+$0x0], $0xffff;
	v16 =	vadd.s32 s9, v11;
	v35 =	vmul.f32 $1.250000000e+00, v31  }
0x6e: {  	v26 =	vld.idx.msk [tilespmem:v26+s3+$0x0], $0xffff;
	v31 =	vsub.f32 v27, v31;
	v27 =	vtrunc.f32 v18;
	v21 =	vadd.f32 v32, v21  }
0x6f: {  	v32 =	vcvt.f32.s32 v27;
	v27 =	vld.idx.msk [tilespmem:v29+s3+$0x0], $0xffff;
	v29 =	vsub.f32 v35, v19;
	v19 =	vadd.s32 v1, v20  }
0x70: {  	v25 =	vld.idx.msk [tilespmem:v25+s3+$0x0], $0xffff;
	v31 =	vmul.f32 $-7.500000000e-01, v31;
	v35 =	vsub.f32 v17, v56;
	v21 =	vmul.f32 $-7.500000000e-01, v21  }
0x71: {  	v30 =	vld.idx.msk [tilespmem:v30+s3+$0x0], $0xffff;
	v37 =	vcvt.s32.f32 v32;
	v29 =	vadd.f32 $1.000000000e+00, v29;
	v38 =	vadd.s32 v5, v32  }
0x72: {  	v17 =	vadd.s32 v1, v32;
	v42 =	vadd.s32 v3, v32;
	v43 =	vadd.s32 v6, v32  }
0x73: {  	v26 =	vmul.f32 v31, v26;
	v48 =	vadd.s32 v8, v32;
	v39 =	vsub.f32 $1.000000000e+00, v21  }
0x74: {  	v24 =	vld.idx.msk [tilespmem:v24+s3+$0x0], $0xffff;
	v50 =	vmul.f32 v35, v35;
	v36 =	vmul.f32 v21, v36;
	v18 =	vsub.f32 v18, v37  }
0x75: {  	v34 =	vld.idx.msk [tilespmem:v34+s3+$0x0], $0xffff;
	v37 =	vcvt.f32.s32 v57;
	v25 =	vmul.f32 v29, v25;
	v39 =	vsub.f32 v39, v29  }
0x76: {  	v21 =	vmul.f32 v21, v27;
	v27 =	vadd.s32 v4, v32;
	v29 =	vmul.f32 v29, v30  }
0x77: {  	v30 =	vadd.s32 v3, v37;
	v40 =	vmul.f32 v18, v18;
	v39 =	vsub.f32 v39, v31  }
0x78: {  	v22 =	vld.idx.msk [tilespmem:v22+s3+$0x0], $0xffff;
	v41 =	vadd.s32 v1, v37;
	v44 =	vadd.s32 v4, v37;
	v45 =	vadd.s32 v5, v37  }
0x79: {  	v47 =	vadd.s32 v6, v37;
	v29 =	vadd.f32 v29, v36;
	v24 =	vmul.f32 v39, v24  }
0x7a: {  	v49 =	vadd.s32 v7, v37;
	v21 =	vadd.f32 v25, v21;
	v25 =	vmul.f32 v39, v34  }
0x7b: {  	v46 =	vadd.f32 v40, v40;
	v24 =	vadd.f32 v24, v29;
	v29 =	vmul.f32 v40, v18  }
0x7c: {  	v51 =	vadd.s32 v9, v37;
	v61 =	vld.idx.msk [tilespmem:v17+s3+$0x0], $0xffff;
	v60 =	vmul.f32 $2.250000000e+00, v40;
	v17 =	vadd.f32 v25, v21  }
0x7d: {  	v21 =	vmul.f32 v22, v31;
	v24 =	vadd.f32 v24, v26;
	v26 =	vsub.f32 v29, v46  }
0x7e: {  	v36 =	vadd.s32 v7, v32;
	v22 =	vld.idx.msk [tilespmem:v27+s3+$0x0], $0xffff;
	v27 =	vcvt.s32.f32 v37;
	v59 =	vmul.f32 $1.250000000e+00, v29  }
0x7f: {  	v31 =	vmul.f32 v50, v35;
	v46 =	vsub.f32 v40, v29;
	v18 =	vadd.f32 v26, v18  }
0x80: {  	v29 =	vadd.s32 v8, v37;
	v33 =	vsub.f32 v33, v27;
	v25 =	vsub.f32 v59, v60;
	v26 =	vld.idx.msk [tilespmem:v42+s3+$0x0], $0xffff  }
0x81: {  	s30 =	sadd.s32 $0xFFFFFFF0, s6;
	v58 =	vld.idx.msk [tilespmem:v38+s3+$0x0], $0xffff;
	v62 =	vadd.f32 v17, v21;
	v63 =	vmul.f32 $-7.500000000e-01, v18;
	v18 =	vadd.f32 v50, v50  }
0x82: {  	v17 =	vadd.s32 s30, v10;
	v56 =	vmul.f32 v33, v33;
	v25 =	vadd.f32 $1.000000000e+00, v25  }
0x83: {  	[tilespmem:v28+s20+$0x0] =	vst.idx.msk $0xffff, v24;
	v42 =	vadd.s32 v9, v32;
	v21 =	vsub.f32 $1.000000000e+00, v63;
	v24 =	vsub.f32 v31, v18  }
0x84: {  	v43 =	vld.idx.msk [tilespmem:v43+s3+$0x0], $0xffff;
	v32 =	vadd.s32 v8, v20;
	v28 =	vmul.f32 v63, v61;
	v22 =	vmul.f32 v25, v22  }
0x85: {  	v40 =	vld.idx.msk [tilespmem:v41+s3+$0x0], $0xffff;
	v57 =	vsub.f32 v21, v25;
	v27 =	vadd.f32 v24, v35;
	v24 =	vmul.f32 v63, v26  }
0x86: {  	v25 =	vmul.f32 v25, v58;
	v26 =	vld.idx.msk [tilespmem:v30+s3+$0x0], $0xffff;
	v30 =	vmul.f32 v56, v33;
	v58 =	vadd.f32 v56, v56  }
0x87: {  	v59 =	vmul.f32 $1.250000000e+00, v31;
	[tilespmem:v23+s20+$0x0] =	vst.idx.msk $0xffff, v62;
	v23 =	vld.idx.msk [tilespmem:v47+s3+$0x0], $0xffff;
	v18 =	vadd.s32 s30, v11;
	v38 =	vadd.f32 v22, v28  }
0x88: {  	v61 =	vld.idx.msk [tilespmem:v36+s3+$0x0], $0xffff;
	v28 =	vmul.f32 $2.250000000e+00, v50;
	v39 =	vadd.f32 v25, v24;
	v24 =	vsub.f32 v30, v58  }
0x89: {  	v22 =	vld.idx.msk [tilespmem:v45+s3+$0x0], $0xffff;
	v35 =	vmul.f32 $-7.500000000e-01, v46;
	v63 =	vmul.f32 $2.250000000e+00, v56;
	v62 =	vsub.f32 v56, v30  }
0x8a: {  	v45 =	vld.idx.msk [tilespmem:v48+s3+$0x0], $0xffff;
	v60 =	vmul.f32 $1.250000000e+00, v30;
	v37 =	vsub.f32 v59, v28;
	v28 =	vadd.f32 v24, v33  }
0x8b: {  	v36 =	vadd.s32 v6, v20;
	v21 =	vld.idx.msk [tilespmem:v44+s3+$0x0], $0xffff;
	v53 =	vsub.f32 v57, v35;
	v30 =	vsub.f32 v50, v31  }
0x8c: {  	v25 =	vld.idx.msk [tilespmem:v49+s3+$0x0], $0xffff;
	v31 =	vadd.s32 v7, v20;
	v47 =	vsub.f32 v60, v63;
	v41 =	vmul.f32 $-7.500000000e-01, v28  }
0x8d: {  	v24 =	vld.idx.msk [tilespmem:v51+s3+$0x0], $0xffff;
	v43 =	vmul.f32 v53, v43;
	v34 =	vmul.f32 $-7.500000000e-01, v62;
	v33 =	vadd.s32 v9, v20  }
0x8e: {  	s13 =	simm.s32 $0x8;
	s7 =	sadd.s32 $0x4, s14;
	v46 =	vmul.f32 v53, v61;
	v28 =	vld.idx.msk [tilespmem:v52+s3+$0x0], $0xffff;
	v44 =	vsub.f32 $1.000000000e+00, v41;
	v40 =	vmul.f32 v41, v40  }
.LBB2_4:
0x8f: {  	s16 =	sadd.s32 $0x2, s13;
	s28 =	sadd.s32 $0x4, s13;
	s30 =	sadd.s32 $0x6, s13;
	v47 =	vadd.f32 $1.000000000e+00, v47;
	v45 =	vmul.f32 v35, v45;
	v48 =	vadd.s32 s6, v10  }
0x90: {  	p0 =	slt.u32 s13, $0x78;
	v51 =	vadd.s32 v3, v20;
	v49 =	vmov s16;
	v50 =	vmov s28;
	v29 =	vld.idx.msk [tilespmem:v29+s3+$0x0], $0xffff;
	s16 =	smov.u32 s13;
	s13 =	sadd.s32 $0x8, s13  }
0x91: {  	v20 =	vadd.s32 v5, v20;
	v49 =	vshrl.u32 v49, $0x3;
	v50 =	vshrl.u32 v50, $0x3;
	v42 =	vld.idx.msk [tilespmem:v42+s3+$0x0], $0xffff  }
0x92: {  	v39 =	vadd.f32 v46, v39;
	v49 =	vshll.u32 v49, v0;
	v50 =	vshll.u32 v50, v0  }
0x93: {  	v38 =	vadd.f32 v43, v38;
	v46 =	vor.u32 v15, v49;
	v49 =	vor.u32 v15, v50  }
0x94: {  	v26 =	vmul.f32 v41, v26;
	v44 =	vsub.f32 v44, v47;
	v43 =	vbroadcast v46, $0x0  }
0x95: {  	v38 =	vadd.f32 v38, v45;
	v41 =	vbroadcast v49, $0x0;
	v46 =	vmov s30  }
0x96: {  	v21 =	vmul.f32 v47, v21;
	v29 =	vmul.f32 v34, v29;
	v43 =	vor.u32 v12, v43;
	v19 =	vld.idx.msk [tilespmem:v19+s3+$0x0], $0xffff  }
0x97: {  	v37 =	vadd.f32 $1.000000000e+00, v37;
	v45 =	vshrl.u32 v46, $0x3;
	v35 =	vmul.f32 v42, v35;
	[tilespmem:v48+s20+$0x0] =	vst.idx.msk $0xffff, v38  }
0x98: {  	v22 =	vmul.f32 v47, v22;
	v42 =	vadd.s32 s9, v10;
	v38 =	vshll.u32 v45, v0  }
0x99: {  	v27 =	vmul.f32 $-7.500000000e-01, v27;
	v44 =	vsub.f32 v44, v34;
	v38 =	vor.u32 v15, v38;
	v45 =	vld.idx.msk [tilespmem:v51+s3+$0x0], $0xffff  }
0x9a: {  	v21 =	vadd.f32 v21, v40;
	v22 =	vadd.f32 v22, v26;
	v38 =	vbroadcast v38, $0x0;
	v20 =	vld.idx.msk [tilespmem:v20+s3+$0x0], $0xffff  }
0x9b: {  	v23 =	vmul.f32 v44, v23;
	v40 =	vor.u32 v13, v41;
	v41 =	vsub.f32 $1.000000000e+00, v27;
	v26 =	vld.idx.msk [tilespmem:v43+s17+$0x0], $0xffff  }
0x9c: {  	v25 =	vmul.f32 v44, v25;
	v38 =	vor.u32 v14, v38;
	v19 =	vmul.f32 v27, v19  }
0x9d: {  	v28 =	vmul.f32 v37, v28;
	v21 =	vadd.f32 v23, v21;
	v23 =	vsub.f32 v41, v37;
	v36 =	vld.idx.msk [tilespmem:v36+s3+$0x0], $0xffff  }
0x9e: {  	v24 =	vmul.f32 v24, v34;
	v34 =	vadd.f32 v39, v35;
	v35 =	vadd.s32 s6, v11;
	v32 =	vld.idx.msk [tilespmem:v32+s3+$0x0], $0xffff  }
0x9f: {  	v22 =	vadd.f32 v25, v22;
	v21 =	vadd.f32 v21, v29;
	v27 =	vmul.f32 v27, v45;
	v25 =	vld.idx.msk [tilespmem:v31+s3+$0x0], $0xffff  }
0xa0: {  	v29 =	vmul.f32 $-7.500000000e-01, v30;
	v19 =	vadd.f32 v28, v19;
	v20 =	vmul.f32 v37, v20;
	v30 =	vld.idx.msk [tilespmem:v33+s3+$0x0], $0xffff  }
0xa1: {  	v22 =	vadd.f32 v22, v24;
	v28 =	vmov s16;
	v26 =	vadd.f32 $1.000000000e+00, v26;
	v31 =	vld.idx.msk [tilespmem:v38+s17+$0x0], $0xffff  }
0xa2: {  	v24 =	vshrl.u32 v28, $0x3;
	v28 =	vld.idx.msk [tilespmem:v40+s17+$0x0], $0xffff;
	[tilespmem:v42+s20+$0x0] =	vst.idx.msk $0xffff, v21;
	v21 =	vsub.f32 v23, v29  }
0xa3: {  	s6 =	sshll.u32 s7, $0x4;
	v20 =	vadd.f32 v20, v27;
	v23 =	vshll.u32 v24, v0;
	v24 =	vtrunc.f32 v26;
	[tilespmem:v35+s20+$0x0] =	vst.idx.msk $0xffff, v34  }
0xa4: {  	s9 =	sadd.s32 $0xFFFFFFD0, s6;
	s16 =	sadd.s32 $0xFFFFFFE0, s6;
	v23 =	vor.u32 v15, v23;
	v27 =	vcvt.f32.s32 v24;
	[tilespmem:v16+s20+$0x0] =	vst.idx.msk $0xffff, v22;
	v16 =	vmul.f32 v29, v32  }
0xa5: {  	v24 =	vadd.s32 s16, v11;
	v22 =	vbroadcast v23, $0x0;
	v23 =	vmul.f32 v21, v25  }
0xa6: {  	v25 =	vcvt.s32.f32 v27;
	v32 =	vadd.s32 v1, v27;
	v29 =	vmul.f32 v30, v29  }
0xa7: {  	v33 =	vadd.s32 v9, v27;
	v22 =	vor.u32 v2, v22;
	v20 =	vadd.f32 v23, v20  }
0xa8: {  	v21 =	vmul.f32 v21, v36;
	v23 =	vsub.f32 v26, v25;
	v25 =	vadd.s32 v6, v27  }
0xa9: {  	v34 =	vadd.s32 v8, v27;
	v26 =	vadd.s32 v5, v27;
	v29 =	vadd.f32 v20, v29  }
0xaa: {  	v35 =	vadd.s32 s16, v10;
	v19 =	vadd.f32 v21, v19;
	v30 =	vmul.f32 v23, v23  }
0xab: {  	v36 =	vadd.s32 v4, v27;
	v21 =	vadd.s32 v3, v27;
	v28 =	vadd.f32 $1.000000000e+00, v28  }
0xac: {  	v31 =	vadd.f32 $1.000000000e+00, v31;
	v37 =	vmul.f32 v30, v23;
	v20 =	vadd.f32 v30, v30;
	v22 =	vld.idx.msk [tilespmem:v22+s17+$0x0], $0xffff  }
0xad: {  	v27 =	vadd.s32 v7, v27;
	v16 =	vadd.f32 v19, v16;
	v38 =	vtrunc.f32 v28  }
0xae: {  	v19 =	vsub.f32 v37, v20;
	v39 =	vmul.f32 $1.250000000e+00, v37;
	v20 =	vcvt.f32.s32 v38;
	v32 =	vld.idx.msk [tilespmem:v32+s3+$0x0], $0xffff  }
0xaf: {  	v37 =	vsub.f32 v30, v37;
	v38 =	vmul.f32 $2.250000000e+00, v30;
	v30 =	vtrunc.f32 v31;
	v26 =	vld.idx.msk [tilespmem:v26+s3+$0x0], $0xffff;
	[tilespmem:v17+s20+$0x0] =	vst.idx.msk $0xffff, v16  }
0xb0: {  	v30 =	vcvt.f32.s32 v30;
	v16 =	vadd.s32 s9, v11;
	v17 =	vadd.f32 v19, v23;
	v21 =	vld.idx.msk [tilespmem:v21+s3+$0x0], $0xffff;
	[tilespmem:v18+s20+$0x0] =	vst.idx.msk $0xffff, v29  }
0xb1: {  	v19 =	vadd.s32 v1, v20;
	v18 =	vsub.f32 v39, v38;
	v29 =	vcvt.s32.f32 v20;
	v23 =	vld.idx.msk [tilespmem:v36+s3+$0x0], $0xffff  }
0xb2: {  	v36 =	vadd.f32 $1.000000000e+00, v22;
	v17 =	vmul.f32 $-7.500000000e-01, v17;
	v22 =	vcvt.s32.f32 v30  }
0xb3: {  	v37 =	vmul.f32 $-7.500000000e-01, v37;
	v38 =	vadd.s32 v5, v30;
	v18 =	vadd.f32 $1.000000000e+00, v18  }
0xb4: {  	v39 =	vsub.f32 $1.000000000e+00, v17;
	v32 =	vmul.f32 v17, v32;
	v22 =	vsub.f32 v31, v22;
	v25 =	vld.idx.msk [tilespmem:v25+s3+$0x0], $0xffff  }
0xb5: {  	v28 =	vsub.f32 v28, v29;
	v29 =	vadd.s32 v1, v30;
	v31 =	vtrunc.f32 v36  }
0xb6: {  	v31 =	vcvt.f32.s32 v31;
	v26 =	vmul.f32 v18, v26;
	v39 =	vsub.f32 v39, v18;
	v34 =	vld.idx.msk [tilespmem:v34+s3+$0x0], $0xffff  }
0xb7: {  	v17 =	vmul.f32 v17, v21;
	v21 =	vadd.s32 v4, v30;
	v18 =	vmul.f32 v18, v23  }
0xb8: {  	v40 =	vmul.f32 v22, v22;
	v23 =	vadd.s32 v3, v31;
	v39 =	vsub.f32 v39, v37  }
0xb9: {  	v42 =	vadd.s32 v3, v30;
	v43 =	vadd.s32 v6, v30;
	v41 =	vadd.s32 v1, v31;
	v27 =	vld.idx.msk [tilespmem:v27+s3+$0x0], $0xffff  }
0xba: {  	v44 =	vadd.s32 v7, v30;
	v18 =	vadd.f32 v18, v32;
	v25 =	vmul.f32 v39, v25;
	v32 =	vld.idx.msk [tilespmem:v38+s3+$0x0], $0xffff  }
0xbb: {  	v45 =	vadd.s32 v5, v31;
	v46 =	vadd.f32 v40, v40;
	v38 =	vadd.s32 v4, v31;
	v33 =	vld.idx.msk [tilespmem:v33+s3+$0x0], $0xffff  }
0xbc: {  	v47 =	vadd.s32 v8, v30;
	v18 =	vadd.f32 v25, v18;
	v25 =	vmul.f32 v37, v34;
	v34 =	vld.idx.msk [tilespmem:v21+s3+$0x0], $0xffff  }
0xbd: {  	v48 =	vadd.s32 v6, v31;
	v49 =	vadd.s32 v7, v31;
	v50 =	vmul.f32 v40, v22;
	v51 =	vld.idx.msk [tilespmem:v29+s3+$0x0], $0xffff  }
0xbe: {  	v52 =	vmul.f32 v28, v28;
	v17 =	vadd.f32 v26, v17;
	v18 =	vadd.f32 v18, v25;
	v42 =	vld.idx.msk [tilespmem:v42+s3+$0x0], $0xffff  }
0xbf: {  	v25 =	vmul.f32 v39, v27;
	v27 =	vsub.f32 v50, v46;
	v53 =	vld.idx.msk [tilespmem:v41+s3+$0x0], $0xffff;
	v41 =	vadd.s32 v9, v31  }
0xc0: {  	v21 =	vld.idx.msk [tilespmem:v38+s3+$0x0], $0xffff;
	[tilespmem:v35+s20+$0x0] =	vst.idx.msk $0xffff, v18;
	v35 =	vsub.f32 v40, v50;
	v18 =	vmul.f32 $1.250000000e+00, v50;
	v38 =	vmul.f32 $2.250000000e+00, v40  }
0xc1: {  	v17 =	vadd.f32 v25, v17;
	v25 =	vadd.f32 v27, v22;
	v26 =	vld.idx.msk [tilespmem:v23+s3+$0x0], $0xffff;
	v23 =	vmul.f32 v33, v37  }
0xc2: {  	v29 =	vadd.s32 v8, v31;
	v33 =	vmul.f32 v52, v28;
	v22 =	vld.idx.msk [tilespmem:v45+s3+$0x0], $0xffff;
	v18 =	vsub.f32 v18, v38  }
0xc3: {  	v27 =	vcvt.s32.f32 v31;
	v31 =	vmul.f32 $-7.500000000e-01, v25;
	v17 =	vadd.f32 v17, v23  }
0xc4: {  	s16 =	sadd.s32 $0xFFFFFFF0, s6;
	v37 =	vadd.f32 v52, v52;
	v38 =	vadd.s32 v4, v20;
	v39 =	vadd.f32 $1.000000000e+00, v18  }
0xc5: {  	v36 =	vsub.f32 v36, v27;
	v23 =	vld.idx.msk [tilespmem:v48+s3+$0x0], $0xffff;
	[tilespmem:v24+s20+$0x0] =	vst.idx.msk $0xffff, v17;
	v17 =	vadd.s32 s16, v10;
	v24 =	vsub.f32 $1.000000000e+00, v31  }
0xc6: {  	v27 =	vsub.f32 v33, v37;
	v18 =	vadd.s32 s16, v11;
	v37 =	vmul.f32 v31, v51;
	v25 =	vld.idx.msk [tilespmem:v49+s3+$0x0], $0xffff  }
0xc7: {  	v40 =	vmul.f32 v36, v36;
	v34 =	vmul.f32 v39, v34;
	v46 =	vsub.f32 v24, v39  }
0xc8: {  	v27 =	vadd.f32 v27, v28;
	v31 =	vmul.f32 v31, v42;
	v32 =	vmul.f32 v39, v32;
	v24 =	vld.idx.msk [tilespmem:v41+s3+$0x0], $0xffff  }
0xc9: {  	v45 =	vmul.f32 $1.250000000e+00, v33;
	v42 =	vadd.f32 v40, v40;
	v41 =	vmul.f32 v40, v36;
	v43 =	vld.idx.msk [tilespmem:v43+s3+$0x0], $0xffff  }
0xca: {  	v48 =	vmul.f32 $2.250000000e+00, v52;
	v39 =	vadd.f32 v32, v31;
	v28 =	vld.idx.msk [tilespmem:v38+s3+$0x0], $0xffff;
	v38 =	vadd.f32 v34, v37  }
0xcb: {  	v35 =	vmul.f32 $-7.500000000e-01, v35;
	v31 =	vsub.f32 v41, v42;
	v34 =	vmul.f32 $1.250000000e+00, v41;
	v49 =	vld.idx.msk [tilespmem:v44+s3+$0x0], $0xffff  }
0xcc: {  	v37 =	vsub.f32 v45, v48;
	v44 =	vsub.f32 v40, v41;
	v40 =	vmul.f32 $2.250000000e+00, v40;
	v45 =	vld.idx.msk [tilespmem:v47+s3+$0x0], $0xffff  }
.Ltmp2:
0xcd: {  	v46 =	vsub.f32 v46, v35;
	v42 =	vadd.s32 v9, v30;
	v36 =	vadd.f32 v31, v36;
	(pc) =	sbr.rel @p0 .LBB2_4-.Ltmp2, $4  }
0xce: {  	v32 =	vadd.s32 v8, v20;
	v30 =	vsub.f32 v52, v33;
	v31 =	vadd.s32 v7, v20  }
0xcf: {  	v47 =	vsub.f32 v34, v40;
	v41 =	vmul.f32 $-7.500000000e-01, v36;
	v43 =	vmul.f32 v46, v43  }
0xd0: {  	v33 =	vadd.s32 v9, v20;
	v34 =	vmul.f32 $-7.500000000e-01, v44;
	v36 =	vadd.s32 v6, v20  }
0xd1: {  	s7 =	sadd.s32 $0x4, s7;
	v44 =	vsub.f32 $1.000000000e+00, v41;
	v40 =	vmul.f32 v41, v53;
	v46 =	vmul.f32 v46, v49  }
0xd2: {  	_ =	sdelay $0x2  }
0xd3: {  	v62 =	vadd.s32 v3, v20  }
0xd4: {  	v15 =	vld.idx.msk [tilespmem:v29+s3+$0x0], $0xffff;
	v47 =	vadd.f32 $1.000000000e+00, v47;
	v45 =	vmul.f32 v35, v45;
	v63 =	vadd.s32 v5, v20  }
0xd5: {  	v42 =	vld.idx.msk [tilespmem:v42+s3+$0x0], $0xffff;
	v48 =	vadd.s32 s6, v10;
	v38 =	vadd.f32 v43, v38;
	v26 =	vmul.f32 v41, v26  }
0xd6: {  	v19 =	vld.idx.msk [tilespmem:v19+s3+$0x0], $0xffff;
	v27 =	vmul.f32 $-7.500000000e-01, v27;
	v37 =	vadd.f32 $1.000000000e+00, v37;
	v52 =	vadd.s32 s9, v10  }
0xd7: {  	v54 =	vld.idx.msk [tilespmem:v36+s3+$0x0], $0xffff;
	v30 =	vmul.f32 $-7.500000000e-01, v30;
	v39 =	vadd.f32 v46, v39;
	v49 =	vsub.f32 v44, v47  }
0xd8: {  	v21 =	vmul.f32 v47, v21;
	v38 =	vadd.f32 v38, v45;
	v22 =	vmul.f32 v47, v22;
	v29 =	vld.idx.msk [tilespmem:v62+s3+$0x0], $0xffff  }
0xd9: {  	v24 =	vmul.f32 v24, v34;
	v53 =	vsub.f32 $1.000000000e+00, v27;
	v50 =	vsub.f32 v49, v34;
	v20 =	vld.idx.msk [tilespmem:v63+s3+$0x0], $0xffff  }
0xda: {  	v31 =	vld.idx.msk [tilespmem:v31+s3+$0x0], $0xffff;
	v56 =	vmul.f32 v37, v28;
	v21 =	vadd.f32 v21, v40;
	v22 =	vadd.f32 v22, v26  }
0xdb: {  	v57 =	vld.idx.msk [tilespmem:v32+s3+$0x0], $0xffff;
	v55 =	vsub.f32 v53, v37;
	v15 =	vmul.f32 v34, v15;
	v51 =	vmul.f32 v42, v35  }
0xdc: {  	v60 =	vadd.s32 s6, v11;
	v19 =	vmul.f32 v27, v19;
	[tilespmem:v48+s20+$0x0] =	vst.idx.msk $0xffff, v38;
	v23 =	vmul.f32 v50, v23  }
0xdd: {  	v33 =	vld.idx.msk [tilespmem:v33+s3+$0x0], $0xffff;
	v25 =	vmul.f32 v50, v25;
	v59 =	vsub.f32 v55, v30;
	v58 =	vadd.f32 v39, v51  }
0xde: {  	v21 =	vadd.f32 v23, v21;
	v27 =	vmul.f32 v27, v29;
	v20 =	vmul.f32 v37, v20  }
0xdf: {  	v19 =	vadd.f32 v56, v19;
	v22 =	vadd.f32 v25, v22;
	v61 =	vmul.f32 v59, v54  }
0xe0: {  	s15 =	sadd.s32 $0x1, s15;
	v62 =	vmul.f32 v59, v31;
	v15 =	vadd.f32 v21, v15;
	v20 =	vadd.f32 v20, v27  }
0xe1: {  	p0 =	sne.s32 s15, $0x8;
	v63 =	vmul.f32 v30, v57;
	v22 =	vadd.f32 v22, v24;
	v19 =	vadd.f32 v61, v19  }
.Ltmp3:
0xe2: {  	[tilespmem:v52+s20+$0x0] =	vst.idx.msk $0xffff, v15;
	v15 =	vmul.f32 v33, v30;
	v20 =	vadd.f32 v62, v20;
	(pc) =	sbr.rel @p0 .LBB2_3-.Ltmp3, $4  }
0xe3: {  	[tilespmem:v60+s20+$0x0] =	vst.idx.msk $0xffff, v58;
	v19 =	vadd.f32 v19, v63  }
0xe4: {  	[tilespmem:v16+s20+$0x0] =	vst.idx.msk $0xffff, v22;
	v15 =	vadd.f32 v20, v15  }
0xe5: {  	[tilespmem:v17+s20+$0x0] =	vst.idx.msk $0xffff, v19  }
0xe6: {  	s14 =	sadd.s32 $0x40, s14;
	[tilespmem:v18+s20+$0x0] =	vst.idx.msk $0xffff, v15  }
0xe7: {  	s2 =	sshll.u32 s31, $0x11  }
0xe8: {  	s2 =	sor.u32 s5, s2  }
0xe9: {  	s6 =	sor.u32 s8, s2  }
0xea: {  	s6 =	sshrl.u32 s6, $0x3  }
0xeb: {  	s30 =	sor.u32 s10, s2;
	s6 =	sadd.s32 s1, s6  }
0xec: {  	[hbm4b:s6+s21] =	stream.strided.scatter [tilespmem:s20], [sflag:$0x3], $0x2000, s22, s21, $0x38;
	[tilespmem:$0x1C080] =	vst v63  }
0xed: {  	s6 =	sshrl.u32 s30, $0x3  }
0xee: {  	s7 =	simm.s32 $0x16080;
	p0 =	seq.s32 s31, $0x7;
	s6 =	sadd.s32 s1, s6  }
0xef: {  	[hbm4b:s6+s21] =	stream.strided.scatter [tilespmem:s7], [sflag:$0x3], $0x2000, s22, s21, $0x38;
	[tilespmem:$0x1C080] =	vst v63  }
0xf0: {  	s6 =	sadd.s32 @!p0 s0, s11  }
0xf1: {  	p1 =	seq.s32 @!p0 s31, $0x0;
	s9 =	simm.s32 @!p0 $0x10080;
	s6 =	sshrl.u32 @!p0 s6, $0x3  }
0xf2: {  	p1 =	por p0, !p1;
	s7 =	simm.s32 @!p0 $0x0;
	s6 =	sadd.s32 @!p0 s4, s6  }
0xf3: {  	[tilespmem:s9], [sflag:$0x1] =	stream.linear.gather @!p0 [hbm4b:s6+s7], $0x2000, $0x38;
	[tilespmem:$0x1C080] =	vst v63  }
0xf4: {  	_ =	swait.ge @p1 [sflag:s29], $0x2000  }
0xf5: {  	[sflag:s29] =	ssyncset.done @p1 $0x0  }
0xf6: {  	[sflag:s29] =	ssyncadd.s32 @p1 $0xFFFFE000  }
0xf7: {  	_ =	swait.ge @p1 [sflag:s29], $0x2000  }
0xf8: {  	[sflag:s29] =	ssyncset.done @p1 $0x0  }
0xf9: {  	[sflag:s29] =	ssyncadd.s32 @p1 $0xFFFFE000  }
0xfa: {  	_ =	swait.ge [sflag:s24], $0x2000  }
0xfb: {  	s14 =	simm.s32 $0x0;
	[sflag:s24] =	ssyncset.done $0x0  }
0xfc: {  	s15 =	simm.s32 $0x3;
	s6 =	simm.s32 $0x0;
	[sflag:s24] =	ssyncadd.s32 $0xFFFFE000  }
.LBB2_7:
0xfd: {  	s7 =	simm.s32 $0x2  }
0xfe: {  	v15 =	vmov s7  }
0xff: {  	s13 =	sshll.u32 s6, $0xA;
	v16 =	vshrl.u32 v15, $0x3  }
0x100: {  	v15 =	vmov s13;
	v16 =	vshll.u32 v16, v0  }
0x101: {  	v16 =	vor.u32 v15, v16  }
0x102: {  	s16 =	simm.s32 $0x4;
	v16 =	vbroadcast v16, $0x0  }
0x103: {  	v17 =	vmov s16  }
0x104: {  	v17 =	vshrl.u32 v17, $0x3;
	v16 =	vor.u32 v12, v16  }
0x105: {  	v19 =	vmov s14;
	v17 =	vshll.u32 v17, v0  }
0x106: {  	v19 =	vshrl.u32 v19, $0x3;
	v17 =	vor.u32 v15, v17  }
0x107: {  	v19 =	vshll.u32 v19, v0;
	v17 =	vbroadcast v17, $0x0  }
0x108: {  	v19 =	vor.u32 v15, v19  }
0x109: {  	s23 =	simm.s32 $0x6;
	v19 =	vbroadcast v19, $0x0;
	v17 =	vor.u32 v13, v17;
	v16 =	vld.idx.msk [tilespmem:v16+s18+$0x0], $0xffff  }
0x10a: {  	v18 =	vmov s23  }
0x10b: {  	v18 =	vshrl.u32 v18, $0x3;
	v19 =	vor.u32 v2, v19  }
0x10c: {  	v18 =	vshll.u32 v18, v0  }
0x10d: {  	v18 =	vor.u32 v15, v18  }
0x10e: {  	v18 =	vbroadcast v18, $0x0;
	v17 =	vld.idx.msk [tilespmem:v17+s18+$0x0], $0xffff;
	v16 =	vadd.f32 $1.000000000e+00, v16;
	_ =	sdelay $0x1  }
0x10f: {  	v18 =	vor.u32 v14, v18;
	v33 =	vld.idx.msk [tilespmem:v19+s18+$0x0], $0xffff;
	v20 =	vtrunc.f32 v16  }
0x110: {  	v20 =	vcvt.f32.s32 v20  }
0x111: {  	s9 =	sshll.u32 s15, $0x4  }
0x112: {  	s28 =	sadd.s32 $0xFFFFFFE0, s9;
	v17 =	vadd.f32 $1.000000000e+00, v17;
	v21 =	vcvt.s32.f32 v20  }
0x113: {  	v23 =	vadd.s32 s28, v11  }
0x114: {  	v18 =	vld.idx.msk [tilespmem:v18+s18+$0x0], $0xffff;
	v33 =	vadd.f32 $1.000000000e+00, v33;
	v19 =	vtrunc.f32 v17;
	v21 =	vsub.f32 v16, v21  }
0x115: {  	v22 =	vadd.s32 v9, v20;
	v24 =	vadd.s32 v6, v20;
	v25 =	vadd.s32 v5, v20  }
0x116: {  	v26 =	vadd.s32 v8, v20;
	v16 =	vadd.s32 v1, v20;
	v27 =	vmul.f32 v21, v21  }
0x117: {  	v29 =	vadd.s32 v3, v20;
	v30 =	vadd.s32 v4, v20;
	v34 =	vadd.s32 v7, v20  }
0x118: {  	v20 =	vcvt.f32.s32 v19;
	v31 =	vmul.f32 v27, v21;
	v32 =	vadd.f32 v27, v27  }
0x119: {  	v28 =	vadd.s32 s28, v10;
	v18 =	vadd.f32 $1.000000000e+00, v18;
	v57 =	vtrunc.f32 v33  }
0x11a: {  	s13 =	sadd.s32 $0xFFFFFFD0, s9;
	v56 =	vcvt.s32.f32 v20;
	v52 =	vadd.s32 v4, v20;
	v32 =	vsub.f32 v31, v32  }
0x11b: {  	v19 =	vmul.f32 $2.250000000e+00, v27;
	v36 =	vld.idx.msk [tilespmem:v16+s3+$0x0], $0xffff;
	v16 =	vadd.s32 s13, v11;
	v35 =	vmul.f32 $1.250000000e+00, v31  }
0x11c: {  	v26 =	vld.idx.msk [tilespmem:v26+s3+$0x0], $0xffff;
	v31 =	vsub.f32 v27, v31;
	v27 =	vtrunc.f32 v18;
	v21 =	vadd.f32 v32, v21  }
0x11d: {  	v32 =	vcvt.f32.s32 v27;
	v27 =	vld.idx.msk [tilespmem:v29+s3+$0x0], $0xffff;
	v29 =	vsub.f32 v35, v19;
	v19 =	vadd.s32 v1, v20  }
0x11e: {  	v25 =	vld.idx.msk [tilespmem:v25+s3+$0x0], $0xffff;
	v31 =	vmul.f32 $-7.500000000e-01, v31;
	v35 =	vsub.f32 v17, v56;
	v21 =	vmul.f32 $-7.500000000e-01, v21  }
0x11f: {  	v30 =	vld.idx.msk [tilespmem:v30+s3+$0x0], $0xffff;
	v37 =	vcvt.s32.f32 v32;
	v29 =	vadd.f32 $1.000000000e+00, v29;
	v38 =	vadd.s32 v5, v32  }
0x120: {  	v17 =	vadd.s32 v1, v32;
	v42 =	vadd.s32 v3, v32;
	v43 =	vadd.s32 v6, v32  }
0x121: {  	v26 =	vmul.f32 v31, v26;
	v48 =	vadd.s32 v8, v32;
	v39 =	vsub.f32 $1.000000000e+00, v21  }
0x122: {  	v24 =	vld.idx.msk [tilespmem:v24+s3+$0x0], $0xffff;
	v50 =	vmul.f32 v35, v35;
	v36 =	vmul.f32 v21, v36;
	v18 =	vsub.f32 v18, v37  }
0x123: {  	v34 =	vld.idx.msk [tilespmem:v34+s3+$0x0], $0xffff;
	v37 =	vcvt.f32.s32 v57;
	v25 =	vmul.f32 v29, v25;
	v39 =	vsub.f32 v39, v29  }
0x124: {  	v21 =	vmul.f32 v21, v27;
	v27 =	vadd.s32 v4, v32;
	v29 =	vmul.f32 v29, v30  }
0x125: {  	v30 =	vadd.s32 v3, v37;
	v40 =	vmul.f32 v18, v18;
	v39 =	vsub.f32 v39, v31  }
0x126: {  	v22 =	vld.idx.msk [tilespmem:v22+s3+$0x0], $0xffff;
	v41 =	vadd.s32 v1, v37;
	v44 =	vadd.s32 v4, v37;
	v45 =	vadd.s32 v5, v37  }
0x127: {  	v47 =	vadd.s32 v6, v37;
	v29 =	vadd.f32 v29, v36;
	v24 =	vmul.f32 v39, v24  }
0x128: {  	v49 =	vadd.s32 v7, v37;
	v21 =	vadd.f32 v25, v21;
	v25 =	vmul.f32 v39, v34  }
0x129: {  	v46 =	vadd.f32 v40, v40;
	v24 =	vadd.f32 v24, v29;
	v29 =	vmul.f32 v40, v18  }
0x12a: {  	v51 =	vadd.s32 v9, v37;
	v61 =	vld.idx.msk [tilespmem:v17+s3+$0x0], $0xffff;
	v60 =	vmul.f32 $2.250000000e+00, v40;
	v17 =	vadd.f32 v25, v21  }
0x12b: {  	v21 =	vmul.f32 v22, v31;
	v24 =	vadd.f32 v24, v26;
	v26 =	vsub.f32 v29, v46  }
0x12c: {  	v36 =	vadd.s32 v7, v32;
	v22 =	vld.idx.msk [tilespmem:v27+s3+$0x0], $0xffff;
	v27 =	vcvt.s32.f32 v37;
	v59 =	vmul.f32 $1.250000000e+00, v29  }
0x12d: {  	v31 =	vmul.f32 v50, v35;
	v46 =	vsub.f32 v40, v29;
	v18 =	vadd.f32 v26, v18  }
0x12e: {  	v29 =	vadd.s32 v8, v37;
	v33 =	vsub.f32 v33, v27;
	v25 =	vsub.f32 v59, v60;
	v26 =	vld.idx.msk [tilespmem:v42+s3+$0x0], $0xffff  }
0x12f: {  	s30 =	sadd.s32 $0xFFFFFFF0, s9;
	v58 =	vld.idx.msk [tilespmem:v38+s3+$0x0], $0xffff;
	v62 =	vadd.f32 v17, v21;
	v63 =	vmul.f32 $-7.500000000e-01, v18;
	v18 =	vadd.f32 v50, v50  }
0x130: {  	v17 =	vadd.s32 s30, v10;
	v56 =	vmul.f32 v33, v33;
	v25 =	vadd.f32 $1.000000000e+00, v25  }
0x131: {  	[tilespmem:v28+s25+$0x0] =	vst.idx.msk $0xffff, v24;
	v42 =	vadd.s32 v9, v32;
	v21 =	vsub.f32 $1.000000000e+00, v63;
	v24 =	vsub.f32 v31, v18  }
0x132: {  	v43 =	vld.idx.msk [tilespmem:v43+s3+$0x0], $0xffff;
	v32 =	vadd.s32 v8, v20;
	v28 =	vmul.f32 v63, v61;
	v22 =	vmul.f32 v25, v22  }
0x133: {  	v40 =	vld.idx.msk [tilespmem:v41+s3+$0x0], $0xffff;
	v57 =	vsub.f32 v21, v25;
	v27 =	vadd.f32 v24, v35;
	v24 =	vmul.f32 v63, v26  }
0x134: {  	v25 =	vmul.f32 v25, v58;
	v26 =	vld.idx.msk [tilespmem:v30+s3+$0x0], $0xffff;
	v30 =	vmul.f32 v56, v33;
	v58 =	vadd.f32 v56, v56  }
0x135: {  	v59 =	vmul.f32 $1.250000000e+00, v31;
	[tilespmem:v23+s25+$0x0] =	vst.idx.msk $0xffff, v62;
	v23 =	vld.idx.msk [tilespmem:v47+s3+$0x0], $0xffff;
	v18 =	vadd.s32 s30, v11;
	v38 =	vadd.f32 v22, v28  }
0x136: {  	v61 =	vld.idx.msk [tilespmem:v36+s3+$0x0], $0xffff;
	v28 =	vmul.f32 $2.250000000e+00, v50;
	v39 =	vadd.f32 v25, v24;
	v24 =	vsub.f32 v30, v58  }
0x137: {  	v22 =	vld.idx.msk [tilespmem:v45+s3+$0x0], $0xffff;
	v35 =	vmul.f32 $-7.500000000e-01, v46;
	v63 =	vmul.f32 $2.250000000e+00, v56;
	v62 =	vsub.f32 v56, v30  }
0x138: {  	v45 =	vld.idx.msk [tilespmem:v48+s3+$0x0], $0xffff;
	v60 =	vmul.f32 $1.250000000e+00, v30;
	v37 =	vsub.f32 v59, v28;
	v28 =	vadd.f32 v24, v33  }
0x139: {  	v36 =	vadd.s32 v6, v20;
	v21 =	vld.idx.msk [tilespmem:v44+s3+$0x0], $0xffff;
	v53 =	vsub.f32 v57, v35;
	v30 =	vsub.f32 v50, v31  }
0x13a: {  	v25 =	vld.idx.msk [tilespmem:v49+s3+$0x0], $0xffff;
	v31 =	vadd.s32 v7, v20;
	v47 =	vsub.f32 v60, v63;
	v41 =	vmul.f32 $-7.500000000e-01, v28  }
0x13b: {  	v24 =	vld.idx.msk [tilespmem:v51+s3+$0x0], $0xffff;
	v43 =	vmul.f32 v53, v43;
	v34 =	vmul.f32 $-7.500000000e-01, v62;
	v33 =	vadd.s32 v9, v20  }
0x13c: {  	s7 =	simm.s32 $0x8;
	s16 =	sadd.s32 $0x4, s15;
	v46 =	vmul.f32 v53, v61;
	v28 =	vld.idx.msk [tilespmem:v52+s3+$0x0], $0xffff;
	v44 =	vsub.f32 $1.000000000e+00, v41;
	v40 =	vmul.f32 v41, v40  }
.LBB2_8:
0x13d: {  	s28 =	sadd.s32 $0x2, s7;
	s30 =	sadd.s32 $0x4, s7;
	s23 =	sadd.s32 $0x6, s7;
	v47 =	vadd.f32 $1.000000000e+00, v47;
	v45 =	vmul.f32 v35, v45;
	v48 =	vadd.s32 s9, v10  }
0x13e: {  	p1 =	slt.u32 s7, $0x78;
	v51 =	vadd.s32 v3, v20;
	v49 =	vmov s28;
	v50 =	vmov s30;
	v29 =	vld.idx.msk [tilespmem:v29+s3+$0x0], $0xffff;
	s28 =	smov.u32 s7;
	s7 =	sadd.s32 $0x8, s7  }
0x13f: {  	v20 =	vadd.s32 v5, v20;
	v49 =	vshrl.u32 v49, $0x3;
	v50 =	vshrl.u32 v50, $0x3;
	v42 =	vld.idx.msk [tilespmem:v42+s3+$0x0], $0xffff  }
0x140: {  	v39 =	vadd.f32 v46, v39;
	v49 =	vshll.u32 v49, v0;
	v50 =	vshll.u32 v50, v0  }
0x141: {  	v38 =	vadd.f32 v43, v38;
	v46 =	vor.u32 v15, v49;
	v49 =	vor.u32 v15, v50  }
0x142: {  	v26 =	vmul.f32 v41, v26;
	v44 =	vsub.f32 v44, v47;
	v43 =	vbroadcast v46, $0x0  }
0x143: {  	v38 =	vadd.f32 v38, v45;
	v41 =	vbroadcast v49, $0x0;
	v46 =	vmov s23  }
0x144: {  	v21 =	vmul.f32 v47, v21;
	v29 =	vmul.f32 v34, v29;
	v43 =	vor.u32 v12, v43;
	v19 =	vld.idx.msk [tilespmem:v19+s3+$0x0], $0xffff  }
0x145: {  	v37 =	vadd.f32 $1.000000000e+00, v37;
	v45 =	vshrl.u32 v46, $0x3;
	v35 =	vmul.f32 v42, v35;
	[tilespmem:v48+s25+$0x0] =	vst.idx.msk $0xffff, v38  }
0x146: {  	v22 =	vmul.f32 v47, v22;
	v42 =	vadd.s32 s13, v10;
	v38 =	vshll.u32 v45, v0  }
0x147: {  	v27 =	vmul.f32 $-7.500000000e-01, v27;
	v44 =	vsub.f32 v44, v34;
	v38 =	vor.u32 v15, v38;
	v45 =	vld.idx.msk [tilespmem:v51+s3+$0x0], $0xffff  }
0x148: {  	v21 =	vadd.f32 v21, v40;
	v22 =	vadd.f32 v22, v26;
	v38 =	vbroadcast v38, $0x0;
	v20 =	vld.idx.msk [tilespmem:v20+s3+$0x0], $0xffff  }
0x149: {  	v23 =	vmul.f32 v44, v23;
	v40 =	vor.u32 v13, v41;
	v41 =	vsub.f32 $1.000000000e+00, v27;
	v26 =	vld.idx.msk [tilespmem:v43+s18+$0x0], $0xffff  }
0x14a: {  	v25 =	vmul.f32 v44, v25;
	v38 =	vor.u32 v14, v38;
	v19 =	vmul.f32 v27, v19  }
0x14b: {  	v28 =	vmul.f32 v37, v28;
	v21 =	vadd.f32 v23, v21;
	v23 =	vsub.f32 v41, v37;
	v36 =	vld.idx.msk [tilespmem:v36+s3+$0x0], $0xffff  }
0x14c: {  	v24 =	vmul.f32 v24, v34;
	v34 =	vadd.f32 v39, v35;
	v35 =	vadd.s32 s9, v11;
	v32 =	vld.idx.msk [tilespmem:v32+s3+$0x0], $0xffff  }
0x14d: {  	v22 =	vadd.f32 v25, v22;
	v21 =	vadd.f32 v21, v29;
	v27 =	vmul.f32 v27, v45;
	v25 =	vld.idx.msk [tilespmem:v31+s3+$0x0], $0xffff  }
0x14e: {  	v29 =	vmul.f32 $-7.500000000e-01, v30;
	v19 =	vadd.f32 v28, v19;
	v20 =	vmul.f32 v37, v20;
	v30 =	vld.idx.msk [tilespmem:v33+s3+$0x0], $0xffff  }
0x14f: {  	v22 =	vadd.f32 v22, v24;
	v28 =	vmov s28;
	v26 =	vadd.f32 $1.000000000e+00, v26;
	v31 =	vld.idx.msk [tilespmem:v38+s18+$0x0], $0xffff  }
0x150: {  	v24 =	vshrl.u32 v28, $0x3;
	v28 =	vld.idx.msk [tilespmem:v40+s18+$0x0], $0xffff;
	[tilespmem:v42+s25+$0x0] =	vst.idx.msk $0xffff, v21;
	v21 =	vsub.f32 v23, v29  }
0x151: {  	s9 =	sshll.u32 s16, $0x4;
	v20 =	vadd.f32 v20, v27;
	v23 =	vshll.u32 v24, v0;
	v24 =	vtrunc.f32 v26;
	[tilespmem:v35+s25+$0x0] =	vst.idx.msk $0xffff, v34  }
0x152: {  	s13 =	sadd.s32 $0xFFFFFFD0, s9;
	s23 =	sadd.s32 $0xFFFFFFE0, s9;
	v23 =	vor.u32 v15, v23;
	v27 =	vcvt.f32.s32 v24;
	[tilespmem:v16+s25+$0x0] =	vst.idx.msk $0xffff, v22;
	v16 =	vmul.f32 v29, v32  }
0x153: {  	v24 =	vadd.s32 s23, v11;
	v22 =	vbroadcast v23, $0x0;
	v23 =	vmul.f32 v21, v25  }
0x154: {  	v25 =	vcvt.s32.f32 v27;
	v32 =	vadd.s32 v1, v27;
	v29 =	vmul.f32 v30, v29  }
0x155: {  	v33 =	vadd.s32 v9, v27;
	v22 =	vor.u32 v2, v22;
	v20 =	vadd.f32 v23, v20  }
0x156: {  	v21 =	vmul.f32 v21, v36;
	v23 =	vsub.f32 v26, v25;
	v25 =	vadd.s32 v6, v27  }
0x157: {  	v34 =	vadd.s32 v8, v27;
	v26 =	vadd.s32 v5, v27;
	v29 =	vadd.f32 v20, v29  }
0x158: {  	v35 =	vadd.s32 s23, v10;
	v19 =	vadd.f32 v21, v19;
	v30 =	vmul.f32 v23, v23  }
0x159: {  	v36 =	vadd.s32 v4, v27;
	v21 =	vadd.s32 v3, v27;
	v28 =	vadd.f32 $1.000000000e+00, v28  }
0x15a: {  	v31 =	vadd.f32 $1.000000000e+00, v31;
	v37 =	vmul.f32 v30, v23;
	v20 =	vadd.f32 v30, v30;
	v22 =	vld.idx.msk [tilespmem:v22+s18+$0x0], $0xffff  }
0x15b: {  	v27 =	vadd.s32 v7, v27;
	v16 =	vadd.f32 v19, v16;
	v38 =	vtrunc.f32 v28  }
0x15c: {  	v19 =	vsub.f32 v37, v20;
	v39 =	vmul.f32 $1.250000000e+00, v37;
	v20 =	vcvt.f32.s32 v38;
	v32 =	vld.idx.msk [tilespmem:v32+s3+$0x0], $0xffff  }
0x15d: {  	v37 =	vsub.f32 v30, v37;
	v38 =	vmul.f32 $2.250000000e+00, v30;
	v30 =	vtrunc.f32 v31;
	v26 =	vld.idx.msk [tilespmem:v26+s3+$0x0], $0xffff;
	[tilespmem:v17+s25+$0x0] =	vst.idx.msk $0xffff, v16  }
0x15e: {  	v30 =	vcvt.f32.s32 v30;
	v16 =	vadd.s32 s13, v11;
	v17 =	vadd.f32 v19, v23;
	v21 =	vld.idx.msk [tilespmem:v21+s3+$0x0], $0xffff;
	[tilespmem:v18+s25+$0x0] =	vst.idx.msk $0xffff, v29  }
0x15f: {  	v19 =	vadd.s32 v1, v20;
	v18 =	vsub.f32 v39, v38;
	v29 =	vcvt.s32.f32 v20;
	v23 =	vld.idx.msk [tilespmem:v36+s3+$0x0], $0xffff  }
0x160: {  	v36 =	vadd.f32 $1.000000000e+00, v22;
	v17 =	vmul.f32 $-7.500000000e-01, v17;
	v22 =	vcvt.s32.f32 v30  }
0x161: {  	v37 =	vmul.f32 $-7.500000000e-01, v37;
	v38 =	vadd.s32 v5, v30;
	v18 =	vadd.f32 $1.000000000e+00, v18  }
0x162: {  	v39 =	vsub.f32 $1.000000000e+00, v17;
	v32 =	vmul.f32 v17, v32;
	v22 =	vsub.f32 v31, v22;
	v25 =	vld.idx.msk [tilespmem:v25+s3+$0x0], $0xffff  }
0x163: {  	v28 =	vsub.f32 v28, v29;
	v29 =	vadd.s32 v1, v30;
	v31 =	vtrunc.f32 v36  }
0x164: {  	v31 =	vcvt.f32.s32 v31;
	v26 =	vmul.f32 v18, v26;
	v39 =	vsub.f32 v39, v18;
	v34 =	vld.idx.msk [tilespmem:v34+s3+$0x0], $0xffff  }
0x165: {  	v17 =	vmul.f32 v17, v21;
	v21 =	vadd.s32 v4, v30;
	v18 =	vmul.f32 v18, v23  }
0x166: {  	v40 =	vmul.f32 v22, v22;
	v23 =	vadd.s32 v3, v31;
	v39 =	vsub.f32 v39, v37  }
0x167: {  	v42 =	vadd.s32 v3, v30;
	v43 =	vadd.s32 v6, v30;
	v41 =	vadd.s32 v1, v31;
	v27 =	vld.idx.msk [tilespmem:v27+s3+$0x0], $0xffff  }
0x168: {  	v44 =	vadd.s32 v7, v30;
	v18 =	vadd.f32 v18, v32;
	v25 =	vmul.f32 v39, v25;
	v32 =	vld.idx.msk [tilespmem:v38+s3+$0x0], $0xffff  }
0x169: {  	v45 =	vadd.s32 v5, v31;
	v46 =	vadd.f32 v40, v40;
	v38 =	vadd.s32 v4, v31;
	v33 =	vld.idx.msk [tilespmem:v33+s3+$0x0], $0xffff  }
0x16a: {  	v47 =	vadd.s32 v8, v30;
	v18 =	vadd.f32 v25, v18;
	v25 =	vmul.f32 v37, v34;
	v34 =	vld.idx.msk [tilespmem:v21+s3+$0x0], $0xffff  }
0x16b: {  	v48 =	vadd.s32 v6, v31;
	v49 =	vadd.s32 v7, v31;
	v50 =	vmul.f32 v40, v22;
	v51 =	vld.idx.msk [tilespmem:v29+s3+$0x0], $0xffff  }
0x16c: {  	v52 =	vmul.f32 v28, v28;
	v17 =	vadd.f32 v26, v17;
	v18 =	vadd.f32 v18, v25;
	v42 =	vld.idx.msk [tilespmem:v42+s3+$0x0], $0xffff  }
0x16d: {  	v25 =	vmul.f32 v39, v27;
	v27 =	vsub.f32 v50, v46;
	v53 =	vld.idx.msk [tilespmem:v41+s3+$0x0], $0xffff;
	v41 =	vadd.s32 v9, v31  }
0x16e: {  	v21 =	vld.idx.msk [tilespmem:v38+s3+$0x0], $0xffff;
	[tilespmem:v35+s25+$0x0] =	vst.idx.msk $0xffff, v18;
	v35 =	vsub.f32 v40, v50;
	v18 =	vmul.f32 $1.250000000e+00, v50;
	v38 =	vmul.f32 $2.250000000e+00, v40  }
0x16f: {  	v17 =	vadd.f32 v25, v17;
	v25 =	vadd.f32 v27, v22;
	v26 =	vld.idx.msk [tilespmem:v23+s3+$0x0], $0xffff;
	v23 =	vmul.f32 v33, v37  }
0x170: {  	v29 =	vadd.s32 v8, v31;
	v33 =	vmul.f32 v52, v28;
	v22 =	vld.idx.msk [tilespmem:v45+s3+$0x0], $0xffff;
	v18 =	vsub.f32 v18, v38  }
0x171: {  	v27 =	vcvt.s32.f32 v31;
	v31 =	vmul.f32 $-7.500000000e-01, v25;
	v17 =	vadd.f32 v17, v23  }
0x172: {  	s23 =	sadd.s32 $0xFFFFFFF0, s9;
	v37 =	vadd.f32 v52, v52;
	v38 =	vadd.s32 v4, v20;
	v39 =	vadd.f32 $1.000000000e+00, v18  }
0x173: {  	v36 =	vsub.f32 v36, v27;
	v23 =	vld.idx.msk [tilespmem:v48+s3+$0x0], $0xffff;
	[tilespmem:v24+s25+$0x0] =	vst.idx.msk $0xffff, v17;
	v17 =	vadd.s32 s23, v10;
	v24 =	vsub.f32 $1.000000000e+00, v31  }
0x174: {  	v27 =	vsub.f32 v33, v37;
	v18 =	vadd.s32 s23, v11;
	v37 =	vmul.f32 v31, v51;
	v25 =	vld.idx.msk [tilespmem:v49+s3+$0x0], $0xffff  }
0x175: {  	v40 =	vmul.f32 v36, v36;
	v34 =	vmul.f32 v39, v34;
	v46 =	vsub.f32 v24, v39  }
0x176: {  	v27 =	vadd.f32 v27, v28;
	v31 =	vmul.f32 v31, v42;
	v32 =	vmul.f32 v39, v32;
	v24 =	vld.idx.msk [tilespmem:v41+s3+$0x0], $0xffff  }
0x177: {  	v45 =	vmul.f32 $1.250000000e+00, v33;
	v42 =	vadd.f32 v40, v40;
	v41 =	vmul.f32 v40, v36;
	v43 =	vld.idx.msk [tilespmem:v43+s3+$0x0], $0xffff  }
0x178: {  	v48 =	vmul.f32 $2.250000000e+00, v52;
	v39 =	vadd.f32 v32, v31;
	v28 =	vld.idx.msk [tilespmem:v38+s3+$0x0], $0xffff;
	v38 =	vadd.f32 v34, v37  }
0x179: {  	v35 =	vmul.f32 $-7.500000000e-01, v35;
	v31 =	vsub.f32 v41, v42;
	v34 =	vmul.f32 $1.250000000e+00, v41;
	v49 =	vld.idx.msk [tilespmem:v44+s3+$0x0], $0xffff  }
0x17a: {  	v37 =	vsub.f32 v45, v48;
	v44 =	vsub.f32 v40, v41;
	v40 =	vmul.f32 $2.250000000e+00, v40;
	v45 =	vld.idx.msk [tilespmem:v47+s3+$0x0], $0xffff  }
.Ltmp4:
0x17b: {  	v46 =	vsub.f32 v46, v35;
	v42 =	vadd.s32 v9, v30;
	v36 =	vadd.f32 v31, v36;
	(pc) =	sbr.rel @p1 .LBB2_8-.Ltmp4, $4  }
0x17c: {  	v32 =	vadd.s32 v8, v20;
	v30 =	vsub.f32 v52, v33;
	v31 =	vadd.s32 v7, v20  }
0x17d: {  	v47 =	vsub.f32 v34, v40;
	v41 =	vmul.f32 $-7.500000000e-01, v36;
	v43 =	vmul.f32 v46, v43  }
0x17e: {  	v33 =	vadd.s32 v9, v20;
	v34 =	vmul.f32 $-7.500000000e-01, v44;
	v36 =	vadd.s32 v6, v20  }
0x17f: {  	s16 =	sadd.s32 $0x4, s16;
	v44 =	vsub.f32 $1.000000000e+00, v41;
	v40 =	vmul.f32 v41, v53;
	v46 =	vmul.f32 v46, v49  }
0x180: {  	_ =	sdelay $0x2  }
0x181: {  	v62 =	vadd.s32 v3, v20  }
0x182: {  	v15 =	vld.idx.msk [tilespmem:v29+s3+$0x0], $0xffff;
	v47 =	vadd.f32 $1.000000000e+00, v47;
	v45 =	vmul.f32 v35, v45;
	v63 =	vadd.s32 v5, v20  }
0x183: {  	v42 =	vld.idx.msk [tilespmem:v42+s3+$0x0], $0xffff;
	v48 =	vadd.s32 s9, v10;
	v38 =	vadd.f32 v43, v38;
	v26 =	vmul.f32 v41, v26  }
0x184: {  	v19 =	vld.idx.msk [tilespmem:v19+s3+$0x0], $0xffff;
	v27 =	vmul.f32 $-7.500000000e-01, v27;
	v37 =	vadd.f32 $1.000000000e+00, v37;
	v52 =	vadd.s32 s13, v10  }
0x185: {  	v54 =	vld.idx.msk [tilespmem:v36+s3+$0x0], $0xffff;
	v30 =	vmul.f32 $-7.500000000e-01, v30;
	v39 =	vadd.f32 v46, v39;
	v49 =	vsub.f32 v44, v47  }
0x186: {  	v21 =	vmul.f32 v47, v21;
	v38 =	vadd.f32 v38, v45;
	v22 =	vmul.f32 v47, v22;
	v29 =	vld.idx.msk [tilespmem:v62+s3+$0x0], $0xffff  }
0x187: {  	v24 =	vmul.f32 v24, v34;
	v53 =	vsub.f32 $1.000000000e+00, v27;
	v50 =	vsub.f32 v49, v34;
	v20 =	vld.idx.msk [tilespmem:v63+s3+$0x0], $0xffff  }
0x188: {  	v31 =	vld.idx.msk [tilespmem:v31+s3+$0x0], $0xffff;
	v56 =	vmul.f32 v37, v28;
	v21 =	vadd.f32 v21, v40;
	v22 =	vadd.f32 v22, v26  }
0x189: {  	v57 =	vld.idx.msk [tilespmem:v32+s3+$0x0], $0xffff;
	v55 =	vsub.f32 v53, v37;
	v15 =	vmul.f32 v34, v15;
	v51 =	vmul.f32 v42, v35  }
0x18a: {  	v60 =	vadd.s32 s9, v11;
	v19 =	vmul.f32 v27, v19;
	[tilespmem:v48+s25+$0x0] =	vst.idx.msk $0xffff, v38;
	v23 =	vmul.f32 v50, v23  }
0x18b: {  	v33 =	vld.idx.msk [tilespmem:v33+s3+$0x0], $0xffff;
	v25 =	vmul.f32 v50, v25;
	v59 =	vsub.f32 v55, v30;
	v58 =	vadd.f32 v39, v51  }
0x18c: {  	v21 =	vadd.f32 v23, v21;
	v27 =	vmul.f32 v27, v29;
	v20 =	vmul.f32 v37, v20  }
0x18d: {  	v19 =	vadd.f32 v56, v19;
	v22 =	vadd.f32 v25, v22;
	v61 =	vmul.f32 v59, v54  }
0x18e: {  	s6 =	sadd.s32 $0x1, s6;
	v62 =	vmul.f32 v59, v31;
	v15 =	vadd.f32 v21, v15;
	v20 =	vadd.f32 v20, v27  }
0x18f: {  	p1 =	sne.s32 s6, $0x8;
	v63 =	vmul.f32 v30, v57;
	v22 =	vadd.f32 v22, v24;
	v19 =	vadd.f32 v61, v19  }
.Ltmp5:
0x190: {  	[tilespmem:v52+s25+$0x0] =	vst.idx.msk $0xffff, v15;
	v15 =	vmul.f32 v33, v30;
	v20 =	vadd.f32 v62, v20;
	(pc) =	sbr.rel @p1 .LBB2_7-.Ltmp5, $4  }
0x191: {  	[tilespmem:v60+s25+$0x0] =	vst.idx.msk $0xffff, v58;
	v19 =	vadd.f32 v19, v63  }
0x192: {  	[tilespmem:v16+s25+$0x0] =	vst.idx.msk $0xffff, v22;
	v15 =	vadd.f32 v20, v15  }
0x193: {  	[tilespmem:v17+s25+$0x0] =	vst.idx.msk $0xffff, v19  }
0x194: {  	s15 =	sadd.s32 $0x40, s15;
	[tilespmem:v18+s25+$0x0] =	vst.idx.msk $0xffff, v15  }
0x195: {  	s2 =	sor.u32 $0x10000, s2  }
0x196: {  	s6 =	sor.u32 s8, s2  }
.Ltmp6:
0x197: {  	s2 =	sor.u32 s10, s2;
	s6 =	sshrl.u32 s6, $0x3;
	(pc) =	sbr.rel @p0 .LBB2_12-.Ltmp6, $4  }
0x198: {  	s2 =	sshrl.u32 s2, $0x3;
	s6 =	sadd.s32 s1, s6  }
0x199: {  	[hbm4b:s6+s21] =	stream.strided.scatter [tilespmem:s25], [sflag:$0x4], $0x2000, s22, s21, $0x38;
	[tilespmem:$0x1C080] =	vst v63  }
0x19a: {  	s2 =	sadd.s32 s1, s2  }
0x19b: {  	[hbm4b:s2+s21] =	stream.strided.scatter [tilespmem:s26], [sflag:$0x4], $0x2000, s22, s21, $0x38;
	[tilespmem:$0x1C080] =	vst v63  }
.Ltmp7:
0x19c: {  	(pc) =	sbr.rel .LBB2_2-.Ltmp7, $4  }
0x19d: {  	s0 =	sadd.s32 s0, s12  }
0x19e: {  	s0 =	sshrl.u32 s0, $0x3  }
0x19f: {  	s31 =	sadd.s32 $0x1, s31;
	s0 =	sadd.s32 s4, s0  }
0x1a0: {  	[tilespmem:s18], [sflag:$0x2] =	stream.linear.gather [hbm4b:s0+s3], $0x2000, $0x38;
	[tilespmem:$0x1C080] =	vst v63  }
.LBB2_13:
0x1a1: {  	_ =	sfence.sel $0x180000  }
0x1a2: {  	[bflag:$0x0] =	sbarrier.arrive $0xFFFF  }
0x1a3: {  	_ =	strace $0x90000047  }
0x1a4: {  	s0 =	stileid.u32;
	[bflag:$0x2] =	sbarrier.arrive $0xFFFF  }
0x1a5: {  	p0 =	sne.s32 s0, $0x0;
	s0 =	rddreg [dreg:$0x2]  }
0x1a6: {  	s0 =	sadd.s32 @!p0 $0x100000, s0  }
0x1a7: {  	[sflag:s0] =	ssyncadd.tile.s32 @!p0 $0x1;
	_ =	shalt  }
.Lfunc_end2:
_tile_overlayer_lowered:
.L_overlay_start_2:
0x1a8: {  	(tag) =	ssettag $0x2  }
0x1a9: {  	s0 =	rddreg [dreg:$0x0];
	s2 =	stileid.u32  }
0x1aa: {  	s1 =	rddreg [dreg:$0x1];
	p0 =	sne.s32 s2, $0x0  }
0x1ab: {  	s3 =	rddreg [dreg:$0x2];
	[bflag:$0x3] =	sbarrier.arrive $0xFFFF;
	s2 =	simm.s32 @!p0 $0x1C05  }
0x1ac: {  	[timem:s3], [sflag:s2] =	dma.local @!p0 [hbm:s0], s1  }
0x1ad: {  	s0 =	simm.s32 @!p0 $0x5  }
0x1ae: {  	_ =	swait.ge @!p0 [sflag:s0], s1  }
0x1af: {  	s1 =	ssub.s32 @!p0 $0x0, s1;
	[sflag:s0] =	ssyncset.done @!p0 $0x0  }
0x1b0: {  	[sflag:s0] =	ssyncadd.s32 @!p0 s1  }
0x1b1: {  	[bflag:$0x3] =	sbarrier.arrive $0xFFFF  }
0x1b2: {  	_ =	shalt  }

// kernel: sparse-core-data-format-call.cloned.1.call-start
scs
called_computation_lowered:
.L_overlay_start_0:
0x0: {  	s2 =	sld [smem:$0x3FD9]  }
0x1: {  	s3 =	sld [smem:$0x3FFE];
	_ =	sdelay $0x1  }
0x2: {  	s1 =	srdreg.scid  }
0x3: {  	s0 =	sand.u32 $0x1, s1  }
0x4: {  	s18 =	sshll.u32 s0, $0xA;
	s2 =	sadd.s32 s3, s2  }
0x5: {  	s2 =	sadd.s32 s2, s18  }
0x6: {  	[smem:$0x3FC4] =	sst s2  }
0x7: {  	_ = 	snop  }
0x8: {  	s2 =	sld [smem:$0x3FD0];
	(tm) =	ssettm $0x1  }
0x9: {  	s19 =	sld [smem:$0x3FFB];
	_ =	sdelay $0x3  }
0xa: {  	_ =	strace s19  }
0xb: {  	s3 =	sld [smem:$0x3FFC];
	_ =	sdelay $0x3  }
0xc: {  	_ =	strace s3  }
0xd: {  	s3 =	sld [smem:$0x3FFD];
	_ =	sdelay $0x3  }
0xe: {  	_ =	strace s3  }
0xf: {  	_ =	strace $0x8FFFFFFF  }
0x10: {  	s20 =	sld [smem:$0x3FDB];
	_ =	sdelay $0x1  }
0x11: {  	s4 =	simm.s32 $_scs_section_size  }
0x12: {  	s5 =	simm.s32 $_size__tile_overlayer_lowered;
	s6 =	simm.s32 $_tile_overlayer_lowered  }
0x13: {  	s23 =	simm.s32 $0x1BFF;
	s22 =	sshll.u32 s6, $0x1;
	s3 =	sadd.s32 s4, s20  }
0x14: {  	s7 =	simm.s32 $0x0;
	s21 =	sshll.u32 s5, $0x1;
	s5 =	sadd.s32 s22, s3  }
0x15: {  	[timem:s7], [sflag:s23] =	dma.local [hbm:s5], s21  }
0x16: {  	_ =	swait.ge [sflag:s23], s21  }
0x17: {  	s4 =	ssub.s32 $0x0, s21;
	[sflag:s23] =	ssyncset.done $0x0  }
0x18: {  	[sflag:s23] =	ssyncadd.s32 s4;
	_ =	sdelay $0x1  }
0x19: {  	s24 =	simm.s32 $0x1B8B  }
0x1a: {  	_ =	swait.ge [sflag:s24], $0x1  }
0x1b: {  	[sflag:s24] =	ssyncset.done $0x0  }
0x1c: {  	s26 =	simm.s32 $0x1B8E;
	s25 =	sld [smem:$0x3FFE];
	[sflag:s24] =	ssyncadd.s32 $0xFFFFFFFF  }
0x1d: {  	s27 =	simm.s32 $execute0_lowered;
	[smem:$0x3FD2] =	sst s26  }
0x1e: {  	s5 =	sshll.u32 s27, $0x1;
	_ =	strace $0x80000049;
	[dreg:$0x1] =	wrdreg $0xFFFFFFFF  }
0x1f: {  	s28 =	simm.s32 $_size_execute0_lowered;
	s3 =	sadd.s32 s3, s5;
	[dreg:$0x0] =	wrdreg $0x0  }
0x20: {  	s5 =	sshll.u32 s28, $0x1;
	[dreg:$0x2] =	wrdreg s3  }
0x21: {  	[dreg:$0x3] =	wrdreg s5  }
0x22: {  	[dreg:$0x4] =	wrdreg $0xC0  }
0x23: {  	_ =	task [dreg:s7], $0x5FFFF  }
0x24: {  	[dreg:$0x1] =	wrdreg $0xFFFFFFFF  }
0x25: {  	[dreg:$0x0] =	wrdreg $0x60  }
0x26: {  	[dreg:$0x2] =	wrdreg s25  }
0x27: {  	[dreg:$0x3] =	wrdreg s2  }
0x28: {  	[dreg:$0x4] =	wrdreg $0x9  }
0x29: {  	_ =	task.clear_ibuf [dreg:s7], $0x5FFFF;
	_ =	strace $0x90000049  }
0x2a: {  	s29 =	simm.s32 $0x9;
	_ =	strace $0x8000004B  }
0x2b: {  	_ =	swait.ge [sflag:s29], $0x1  }
0x2c: {  	[sflag:s29] =	ssyncadd.s32 $0xFFFFFFFF  }
0x2d: {  	_ =	strace $0x9000004B  }
0x2e: {  	_ =	sfence  }
0x2f: {  	s30 =	sld [smem:$0x0];
	_ =	sdelay $0x2  }
0x30: {  	s31 =	sshll.u32 s1, $0xD;
	s1 =	sshrl.u32 s1, $0x2  }
0x31: {  	s3 =	sand.u32 $0x4000, s31;
	s1 =	sadd.s32 s1, s30  }
0x32: {  	s0 =	sor.u32 s3, s0;
	s1 =	sshll.u32 s1, $0x11  }
0x33: {  	s0 =	sor.u32 s1, s0  }
0x34: {  	s0 =	sadd.s32 $0x8F2B, s0  }
0x35: {  	[sflag:s0] =	ssyncadd.remote.s32 $0x1  }
0x36: {  	_ =	sfence.sel $0xFFFF  }
0x37: {  	[dreg:$0x0] =	wrdreg $0xFFFFFFFF;
	(pc) =	sbr.abs _section_cstart, $3  }
0x38: {  	[dreg:$0x1] =	wrdreg $0xFFFFFFFF  }
0x39: {  	_ =	task.clear_ibuf [dreg:s7], $0x2FFFF;
	_ =	strace $0x9FFFFFFF  }
0x3a: {  	(tm) =	ssettm $0x7FFFFFFF  }
0x3b: {  	_ =	shalt  }
tec
execute0_lowered:
.L_overlay_start_1:
0x0: {  	(tag) =	ssettag $0x1  }
0x1: {  	s0 =	srdreg.scid  }
0x2: {  	s1 =	sshll.u32 s0, $0x4  }
0x3: {  	s4 =	rddreg [dreg:$0x0];
	s0 =	stileid.u32;
	s1 =	sand.u32 $0x10, s1  }
0x4: {  	s2 =	rddreg [dreg:$0x1];
	s7 =	simm.s32 $0x1;
	s1 =	sor.u32 s0, s1  }
0x5: {  	s8 =	simm.s32 $0x2;
	s11 =	simm.s32 $0x0;
	s3 =	sshll.u32 s1, $0x7  }
0x6: {  	s10 =	simm.s32 $0x0;
	s4 =	sadd.s32 $0x800, s4;
	s6 =	ssub.s32 $0x20000, s3  }
.Ltmp0:
0x7: {  	s1 =	rddreg [dreg:$0x2];
	s5 =	sand.u32 $0xF80, s6;
	(pc) =	sbr.rel .LBB1_1-.Ltmp0, $4  }
0x8: {  	_ =	strace $0x8000004A;
	s9 =	smov.u32 s3;
	p0 =	sne.s32 s5, $0x0  }
0x9: {  	s6 =	sshrl.u32 s6, $0xC;
	s5 =	simm.s32 $0x1;
	s7 =	simm.s32 @!p0 $0x0  }
0xa: {  	[sflag:s5] =	ssyncpa.u1 $0x0;
	p0 =	por $0x0, $0x0;
	s6 =	sadd.s32 s7, s6  }
0xb: {  	[sflag:s8] =	ssyncpa.u1 $0x0;
	s8 =	simm.s32 $0x100000;
	s7 =	sadd.s32 $0x1, s6  }
.LBB1_4:
0xc: {  	s14 =	sshll.u32 s11, $0x3  }
0xd: {  	s15 =	sand.u32 $0x78, s11;
	s14 =	sand.u32 $0x1FC00, s14  }
0xe: {  	[tilespmem:s13+$0x810 ss:$0x81] =	vst.msk $0xffff, v2;
	s29 =	sand.u32 $0xFC000, s11;
	s30 =	sand.u32 $0x7, s11;
	s14 =	sor.u32 s15, s14  }
0xf: {  	[tilespmem:s13+$0x1020 ss:$0x81] =	vst.msk $0xffff, v0;
	s11 =	sshll.u32 s30, $0x12;
	s15 =	sadd.s32 s2, s29;
	s14 =	sshrl.u32 s14, $0x3  }
0x10: {  	[tilespmem:s13+$0x0 ss:$0x81] =	vst.msk $0xffff, v1;
	s11 =	sor.u32 $0x400, s11;
	s31 =	sadd.s32 s14, s15  }
0x11: {  	[hbm4b:s31+s11] =	stream.strided.scatter [tilespmem:s12], [sflag:$0x2], $0x2000, s8, s11, $0x20;
	[tilespmem:$0x8080] =	vst v63  }
.LBB1_5:
0x12: {  	s13 =	sadd.s32 $0x1000, s9  }
0x13: {  	p2 =	sgt.s32 s13, $0x1FFFF  }
0x14: {  	s13 =	smov.u32 @p2 s3;
	p2 =	sne.s32 s10, s7  }
.Ltmp1:
0x15: {  	p1 =	slt.u32 s10, $0x2;
	(pc) =	sbr.rel @!p2 .LBB1_6-.Ltmp1, $4  }
0x16: {  	s12 =	simm.s32 @!p1 $0x2  }
0x17: {  	s14 =	sadd.s32 $0x1, s10;
	_ =	swait.ge @!p1 [sflag:s12], $0x2000  }
0x18: {  	s11 =	smov.u32 s9;
	p0 =	por !p0, !p0;
	[sflag:s12] =	ssyncset.done @!p1 $0x0  }
0x19: {  	s10 =	smov.u32 s14;
	s9 =	smov.u32 s13;
	[sflag:s12] =	ssyncadd.s32 @!p1 $0xFFFFE000  }
.LBB1_1:
0x1a: {  	p1 =	sge.u32 s10, s6  }
0x1b: {  	s31 =	sadd.s32 $0xFFFFFFFF, s10;
	s12 =	sxor.u32 @!p1 $0xFFFFFFFF, s10;
	s13 =	sshll.u32 @!p1 s9, $0x4  }
0x1c: {  	s14 =	simm.s32 @!p1 $0x40;
	s12 =	sshll.u32 @!p1 s12, $0xD;
	s13 =	sand.u32 @!p1 $0x1FFFF0, s13  }
0x1d: {  	s15 =	simm.s32 @!p1 $0x80;
	s12 =	sand.u32 @!p1 $0x2000, s12;
	s13 =	sadd.s32 @!p1 s4, s13  }
0x1e: {  	[tilespmem:s12], [sflag:$0x1] =	stream.strided.gather @!p1 [hbm4b:s13+s14], $0x2000, s15, s14, $0x38;
	[tilespmem:$0x8080] =	vst v63  }
0x1f: {  	p1 =	sge.u32 s31, s6  }
.Ltmp2:
0x20: {  	_ = 	snop;
	(pc) =	sbr.rel @p1 .LBB1_5-.Ltmp2, $1  }
0x21: {  	_ =	sdelay $0x3  }
0x22: {  	s12 =	simm.s32 $0x1  }
0x23: {  	_ =	swait.ge [sflag:s5], $0x2000;
	s12 =	simm.s32 @!p0 $0x0  }
0x24: {  	[sflag:s5] =	ssyncset.done $0x0;
	s13 =	sshll.u32 s12, $0xD  }
0x25: {  	[sflag:s5] =	ssyncadd.s32 $0xFFFFE000;
	s16 =	sor.u32 $0x20, s13  }
0x26: {  	s12 =	smul.u32 $0x8100, s12;
	v3 =	vld [tilespmem:s16+$0x10]  }
0x27: {  	s30 =	sand.u32 $0x1, s10;
	v2 =	vld [tilespmem:s16+$0xFFFFFFF0]  }
0x28: {  	s13 =	smul.u32 $0x8100, s30;
	s12 =	sshrl.u32 s12, $0x2;
	v0 =	vld [tilespmem:s16+$0x0]  }
0x29: {  	v1 =	vld [tilespmem:s16+$0xFFFFFFE0];
	s14 =	sor.u32 $0x4000, s12  }
0x2a: {  	s31 =	sshrl.u32 s13, $0x2;
	s13 =	sadd.s32 $0x0, s14  }
0x2b: {  	s15 =	simm.s32 $0x4;
	s16 =	sadd.s32 $0x40, s16;
	s12 =	sor.u32 $0x4000, s31;
	[tilespmem:s13+$0x1830 ss:$0x81] =	vst.msk $0xffff, v3  }
.LBB1_3:
0x2c: {  	v3 =	vld [tilespmem:s16+$0x10];
	p1 =	sne.s32 s15, $0x1FC;
	[tilespmem:s13+$0x810 ss:$0x81] =	vst.msk $0xffff, v2;
	s17 =	smov.u32 s15;
	s15 =	sadd.s32 $0x4, s15  }
.Ltmp3:
0x2d: {  	v2 =	vld [tilespmem:s16+$0xFFFFFFF0];
	[tilespmem:s13+$0x1020 ss:$0x81] =	vst.msk $0xffff, v0;
	(pc) =	sbr.rel @p1 .LBB1_3-.Ltmp3, $4  }
0x2e: {  	v0 =	vld [tilespmem:s16+$0x0];
	[tilespmem:s13+$0x0 ss:$0x81] =	vst.msk $0xffff, v1  }
0x2f: {  	s13 =	sshra.s32 s17, $0x2;
	v1 =	vld [tilespmem:s16+$0xFFFFFFE0]  }
0x30: {  	s13 =	sadd.s32 s13, s14  }
0x31: {  	s16 =	sadd.s32 $0x40, s16;
	[tilespmem:s13+$0x1830 ss:$0x81] =	vst.msk $0xffff, v3  }
.Ltmp4:
0x32: {  	_ = 	snop;
	(pc) =	sbr.rel .LBB1_4-.Ltmp4, $1  }
0x33: {  	_ =	sdelay $0x3  }
.LBB1_6:
0x34: {  	_ =	sfence.sel $0x180000  }
0x35: {  	s2 =	simm.s32 $0x1;
	[bflag:$0x0] =	sbarrier.arrive $0xFFFF  }
0x36: {  	s31 =	simm.s32 $0x2;
	[sflag:s2] =	ssyncpa.u1 $0x1  }
0x37: {  	[sflag:s31] =	ssyncpa.u1 $0x1  }
0x38: {  	p0 =	sne.s32 s0, $0x0;
	_ =	strace $0x9000004A  }
0x39: {  	s0 =	sadd.s32 @!p0 $0x100000, s1;
	[bflag:$0x2] =	sbarrier.arrive $0xFFFF  }
0x3a: {  	[sflag:s0] =	ssyncadd.tile.s32 @!p0 $0x1;
	_ =	shalt  }
.Lfunc_end1:
_tile_overlayer_lowered:
.L_overlay_start_2:
0x3b: {  	(tag) =	ssettag $0x2  }
0x3c: {  	s0 =	rddreg [dreg:$0x0];
	s2 =	stileid.u32  }
0x3d: {  	s1 =	rddreg [dreg:$0x1];
	p0 =	sne.s32 s2, $0x0  }
0x3e: {  	s3 =	rddreg [dreg:$0x2];
	[bflag:$0x3] =	sbarrier.arrive $0xFFFF;
	s2 =	simm.s32 @!p0 $0x1C01  }
0x3f: {  	[timem:s3], [sflag:s2] =	dma.local @!p0 [hbm:s0], s1  }
0x40: {  	s0 =	simm.s32 @!p0 $0x1  }
0x41: {  	_ =	swait.ge @!p0 [sflag:s0], s1  }
0x42: {  	s1 =	ssub.s32 @!p0 $0x0, s1;
	[sflag:s0] =	ssyncset.done @!p0 $0x0  }
0x43: {  	[sflag:s0] =	ssyncadd.s32 @!p0 s1  }
0x44: {  	[bflag:$0x3] =	sbarrier.arrive $0xFFFF  }
0x45: {  	_ =	shalt  }

</sc_bundles>
